<compile_context>
chip_gen: v7x
topology: tpu7x:2x2x1
jax: 0.10.2.dev20260603
libtpu: 0.0.44.dev20260713+nightly
codegen_flags: <defaults>
</compile_context>

<pallas_src>
import functools

import jax
import jax.numpy as jnp
from jax import lax
from jax.experimental import pallas as pl
from jax.experimental.pallas import tpu as pltpu
from jax.experimental.pallas import tpu_sc as plsc

_TOPK = 10
_CHUNK = 2048
_RW = 16
_NEGF = float(-1e30)
_POSF = float(1e30)
_BIGI = int(2**30)


def _matcher_body(q_ref, qn_ref, g_ref, gn_ref, gpk_ref, qpk_ref,
                  osim_ref, oidx_ref, qs_ref, wk_ref, rv_ref, ri_ref,
                  *, K, nchunks):
    i = pl.program_id(0)
    Q = q_ref.shape[0]

    @pl.when(i == 0)
    def _init():
        qs_ref[...] = q_ref[...] / qn_ref[...]
        rv_ref[...] = jnp.full(rv_ref.shape, _NEGF, jnp.float32)
        ri_ref[...] = jnp.full(ri_ref.shape, _BIGI, jnp.int32)

    gn = g_ref[...] / gn_ref[...]

    sim = jax.lax.dot_general(
        qs_ref[...], gn, (((1,), (1,)), ((), ())),
        preferred_element_type=jnp.float32)

    sim = jnp.where(qpk_ref[...] == gpk_ref[...], jnp.float32(-1.0), sim)
    wk_ref[...] = sim

    valid_tail = K - (nchunks - 1) * _CHUNK
    if valid_tail < _CHUNK:
        @pl.when(i == nchunks - 1)
        def _tail():
            wk_ref[:, valid_tail:] = jnp.full(
                (Q, _CHUNK - valid_tail), _NEGF, jnp.float32)

    colid = i * _CHUNK + jax.lax.broadcasted_iota(jnp.int32, (1, _CHUNK), 1)

    m0 = jnp.max(wk_ref[...], axis=1, keepdims=True)
    t0 = rv_ref[:, _TOPK - 1:_TOPK]

    def _cond(carry):
        return carry[1]

    def _body(carry):
        m, _ = carry
        wk = wk_ref[...]
        j = jnp.min(jnp.where(wk == m, colid, _BIGI), axis=1, keepdims=True)
        rv = rv_ref[...]
        ri = ri_ref[...]
        rvs = jnp.concatenate(
            [jnp.full((Q, 1), _POSF, jnp.float32), rv[:, :-1]], axis=1)
        ris = jnp.concatenate([ri[:, :1], ri[:, :-1]], axis=1)
        ge = rv >= m
        ges = rvs >= m
        rv_ref[...] = jnp.where(ge, rv, jnp.where(ges, m, rvs))
        ri_ref[...] = jnp.where(ge, ri, jnp.where(ges, j, ris))
        wk2 = jnp.where(colid == j, _NEGF, wk)
        wk_ref[...] = wk2
        m2 = jnp.max(wk2, axis=1, keepdims=True)
        cont = jnp.any(m2 > rv_ref[:, _TOPK - 1:_TOPK])
        return (m2, cont)

    lax.while_loop(_cond, _body, (m0, jnp.any(m0 > t0)))

    @pl.when(i == nchunks - 1)
    def _fin():
        osim_ref[...] = rv_ref[:, :_TOPK]
        oidx_ref[...] = ri_ref[:, :_TOPK]


def _topk_sim(q, qn, g_feats, gn, gpk2, qpk2):
    Q, D = q.shape
    K = g_feats.shape[0]
    nchunks = pl.cdiv(K, _CHUNK)
    body = functools.partial(_matcher_body, K=K, nchunks=nchunks)
    return pl.pallas_call(
        body,
        grid=(nchunks,),
        in_specs=[
            pl.BlockSpec((Q, D), lambda i: (0, 0)),
            pl.BlockSpec((Q, 1), lambda i: (0, 0)),
            pl.BlockSpec((_CHUNK, D), lambda i: (i, 0)),
            pl.BlockSpec((_CHUNK, 1), lambda i: (i, 0)),
            pl.BlockSpec((1, _CHUNK), lambda i: (0, i)),
            pl.BlockSpec((Q, 1), lambda i: (0, 0)),
        ],
        out_specs=[
            pl.BlockSpec((Q, _TOPK), lambda i: (0, 0)),
            pl.BlockSpec((Q, _TOPK), lambda i: (0, 0)),
        ],
        out_shape=[
            jax.ShapeDtypeStruct((Q, _TOPK), jnp.float32),
            jax.ShapeDtypeStruct((Q, _TOPK), jnp.int32),
        ],
        scratch_shapes=[
            pltpu.VMEM((Q, D), jnp.float32),
            pltpu.VMEM((Q, _CHUNK), jnp.float32),
            pltpu.VMEM((Q, _RW), jnp.float32),
            pltpu.VMEM((Q, _RW), jnp.int32),
        ],
        compiler_params=pltpu.CompilerParams(
            dimension_semantics=("arbitrary",)),
    )(q, qn, g_feats, gn, gpk2, qpk2)


_NW = 32
_BPW = 320
_L = 16


def _sc_match_gather(packed_tab, idx_flat, qpid_flat):
    K = packed_tab.shape[0]
    B = idx_flat.shape[0]
    mesh = plsc.VectorSubcoreMesh(core_axis_name="c", subcore_axis_name="s")

    @functools.partial(
        pl.kernel, mesh=mesh,
        compiler_params=pltpu.CompilerParams(needs_layout_passes=False),
        out_type=(
            jax.ShapeDtypeStruct((B,), jnp.int32),
            jax.ShapeDtypeStruct((B,), jnp.int32),
            jax.ShapeDtypeStruct((B,), jnp.int32),
        ),
        scratch_types=[
            pltpu.VMEM((K,), jnp.int32),
            pltpu.VMEM((_BPW,), jnp.int32),
            pltpu.VMEM((_BPW,), jnp.int32),
            pltpu.VMEM((_BPW,), jnp.int32),
            pltpu.VMEM((_BPW,), jnp.int32),
            pltpu.VMEM((_BPW,), jnp.int32),
        ],
    )
    def k(tab_hbm, idx_hbm, qpid_hbm, om_hbm, op_hbm, oc_hbm,
          tab_v, idx_v, qp_v, om_v, op_v, oc_v):
        wid = lax.axis_index("s") * 2 + lax.axis_index("c")
        base = wid * _BPW
        pltpu.sync_copy(tab_hbm, tab_v)
        pltpu.sync_copy(idx_hbm.at[pl.ds(base, _BPW)], idx_v)
        pltpu.sync_copy(qpid_hbm.at[pl.ds(base, _BPW)], qp_v)
        for t in range(_BPW // _L):
            sl = pl.ds(t * _L, _L)
            packed = plsc.load_gather(tab_v, [idx_v[sl]])
            pid = lax.shift_right_logical(packed, 4)
            cam = lax.bitwise_and(packed, 15)
            om_v[sl] = jnp.where(pid == qp_v[sl], 1, 0).astype(jnp.int32)
            op_v[sl] = pid
            oc_v[sl] = cam
        pltpu.sync_copy(om_v, om_hbm.at[pl.ds(base, _BPW)])
        pltpu.sync_copy(op_v, op_hbm.at[pl.ds(base, _BPW)])
        pltpu.sync_copy(oc_v, oc_hbm.at[pl.ds(base, _BPW)])

    return k(packed_tab, idx_flat, qpid_flat)


def kernel(imgs, pids, camids, g_feats, g_pids, g_camids):
    Q = imgs.shape[0]
    packed = (g_pids * 16 + g_camids).astype(jnp.int32)
    qpacked = (pids * 16 + camids).astype(jnp.int32)
    qn = jnp.maximum(jnp.linalg.norm(imgs, axis=1, keepdims=True), 1e-12)
    gn = jnp.maximum(jnp.linalg.norm(g_feats, axis=1, keepdims=True), 1e-12)
    topk_sim, topk_index = _topk_sim(
        imgs, qn, g_feats, gn, packed.reshape(1, -1), qpacked.reshape(Q, 1))
    qpid = jnp.repeat(pids, _TOPK).astype(jnp.int32)
    m, mp, mc = _sc_match_gather(packed, topk_index.reshape(-1), qpid)
    matches = m.reshape(Q, _TOPK).astype(jnp.bool_)
    match_pids = mp.reshape(Q, _TOPK).astype(g_pids.dtype)
    match_camids = mc.reshape(Q, _TOPK).astype(g_camids.dtype)
    return (matches, topk_sim, match_pids, match_camids, topk_index)

# --- scband reference (transcript-rebuilt; emitter-appended) ---
"""Pipeline reference for scband-matcher-10771777978480 (READ-ONLY COPY).

The authoritative reference and input builder live on the scoring server;
editing this copy changes nothing except your own understanding.
"""

import jax, jax.numpy as jnp
import numpy as np

TOPK = 10

def _normalize(x, eps=1e-12):
    n = jnp.linalg.norm(x, axis=1, keepdims=True)
    return x / jnp.maximum(n, eps)

def setup_inputs(seed: int = 0) -> dict:
    key = jax.random.key(seed)
    k1, k2, k3, k4, k5, k6 = jax.random.split(key, 6)
    Q, K, D = 1024, 100000, 256
    imgs = jax.random.normal(k1, (Q, D), dtype=jnp.float32)
    pids = jax.random.randint(k2, (Q,), 0, 1000, dtype=jnp.int64) if jax.config.jax_enable_x64 else jax.random.randint(k2, (Q,), 0, 1000, dtype=jnp.int32)
    camids = jax.random.randint(k3, (Q,), 0, 10, dtype=pids.dtype)
    g_feats = jax.random.normal(k4, (K, D), dtype=jnp.float32)
    g_pids = jax.random.randint(k5, (K,), 0, 1000, dtype=pids.dtype)
    g_camids = jax.random.randint(k6, (K,), 0, 10, dtype=pids.dtype)
    return {"imgs": imgs, "pids": pids, "camids": camids, "g_feats": g_feats, "g_pids": g_pids, "g_camids": g_camids}

def reference(imgs, pids, camids, g_feats, g_pids, g_camids):
    # model treated as identity feature extractor (imgs are backbone features)
    q_feats = _normalize(imgs)
    g_opt = _normalize(g_feats).T  # [D, K], precomputed in __init__ of original module
    sim_mat = q_feats @ g_opt  # [Q, K]
    # rm_same_cam masking: set same (pid, camid) gallery entries to -1
    mask = (pids[:, None] == g_pids[None, :]) & (camids[:, None] == g_camids[None, :])
    sim_mat = jnp.where(mask, jnp.float32(-1.0), sim_mat)
    topk_sim, topk_index = jax.lax.top_k(sim_mat, TOPK)
    match_pids = g_pids[topk_index]
    match_camids = g_camids[topk_index]
    matches = pids[:, None] == match_pids
    return (matches, topk_sim, match_pids, match_camids, topk_index)

if __name__ == "__main__":
    import jax
    _d = setup_inputs()
    print(jax.jit(kernel)(*tuple(_d.values())))

</pallas_src>

<mosaic_0001>
#map = affine_map<(d0, d1) -> (0)>
module attributes {stable_mosaic.version = 14 : i64} {
  func.func @k(%arg0: i32, %arg1: i32, %arg2: memref<100000xi32, #tpu.memory_space<hbm>>, %arg3: memref<10240xi32, #tpu.memory_space<hbm>>, %arg4: memref<10240xi32, #tpu.memory_space<hbm>>, %arg5: memref<10240xi32, #tpu.memory_space<hbm>>, %arg6: memref<10240xi32, #tpu.memory_space<hbm>>, %arg7: memref<10240xi32, #tpu.memory_space<hbm>>, %arg8: memref<100000xi32, #tpu.memory_space<vmem>>, %arg9: memref<320xi32, #tpu.memory_space<vmem>>, %arg10: memref<320xi32, #tpu.memory_space<vmem>>, %arg11: memref<320xi32, #tpu.memory_space<vmem>>, %arg12: memref<320xi32, #tpu.memory_space<vmem>>, %arg13: memref<320xi32, #tpu.memory_space<vmem>>) attributes {dimension_semantics = [#tpu.dimension_semantics<core_parallel>, #tpu.dimension_semantics<subcore_parallel>], iteration_bounds = array<i64: 2, 16>, scalar_prefetch = 0 : i64, scratch_operands = 6 : i64, tpu.core_type = #tpu.core_type<sc_vector_subcore>, window_params = [{transform_indices = #map}, {transform_indices = #map}, {transform_indices = #map}, {transform_indices = #map}, {transform_indices = #map}, {transform_indices = #map}]} {
    %mul3A = arith.constant 2 : i32
    %mul3A_0 = arith.muli %arg1, %mul3A : i32
    %add3A = arith.addi %mul3A_0, %arg0 : i32
    %mul3A_1 = arith.constant 320 : i32
    %mul3A_2 = arith.muli %add3A, %mul3A_1 : i32
    "tpu.region"() ({
      %run_scoped3A = tpu.sem_alloc : memref<!tpu.dma_semaphore, #tpu.memory_space<semaphore_mem>>
      tpu.enqueue_dma source(%arg2 : memref<100000xi32, #tpu.memory_space<hbm>>) target(%arg8 : memref<100000xi32, #tpu.memory_space<vmem>>) target_semaphore(%run_scoped3A : memref<!tpu.dma_semaphore, #tpu.memory_space<semaphore_mem>>)
      tpu.wait_dma2 semaphore(%run_scoped3A : memref<!tpu.dma_semaphore, #tpu.memory_space<semaphore_mem>>) src(%arg2 : memref<100000xi32, #tpu.memory_space<hbm>>) dst(%arg8 : memref<100000xi32, #tpu.memory_space<vmem>>)
      tpu.yield
    }) : () -> ()
    "tpu.region"() ({
      %run_scoped3A = tpu.sem_alloc : memref<!tpu.dma_semaphore, #tpu.memory_space<semaphore_mem>>
      %dma_start3A = tpu.memref_slice %arg3[%mul3A_2] : memref<10240xi32, #tpu.memory_space<hbm>> -> memref<320xi32, #tpu.memory_space<hbm>>
      %dma_start3A_454 = tpu.memref_slice %arg3[%mul3A_2] : memref<10240xi32, #tpu.memory_space<hbm>> -> memref<320xi32, #tpu.memory_space<hbm>>
      tpu.enqueue_dma source(%dma_start3A_454 : memref<320xi32, #tpu.memory_space<hbm>>) target(%arg9 : memref<320xi32, #tpu.memory_space<vmem>>) target_semaphore(%run_scoped3A : memref<!tpu.dma_semaphore, #tpu.memory_space<semaphore_mem>>)
      %dma_wait3A = tpu.memref_slice %arg3[%mul3A_2] : memref<10240xi32, #tpu.memory_space<hbm>> -> memref<320xi32, #tpu.memory_space<hbm>>
      %dma_wait3A_455 = tpu.memref_slice %arg3[%mul3A_2] : memref<10240xi32, #tpu.memory_space<hbm>> -> memref<320xi32, #tpu.memory_space<hbm>>
      tpu.wait_dma2 semaphore(%run_scoped3A : memref<!tpu.dma_semaphore, #tpu.memory_space<semaphore_mem>>) src(%dma_wait3A_455 : memref<320xi32, #tpu.memory_space<hbm>>) dst(%arg9 : memref<320xi32, #tpu.memory_space<vmem>>)
      tpu.yield
    }) : () -> ()
    "tpu.region"() ({
      %run_scoped3A = tpu.sem_alloc : memref<!tpu.dma_semaphore, #tpu.memory_space<semaphore_mem>>
      %dma_start3A = tpu.memref_slice %arg4[%mul3A_2] : memref<10240xi32, #tpu.memory_space<hbm>> -> memref<320xi32, #tpu.memory_space<hbm>>
      %dma_start3A_454 = tpu.memref_slice %arg4[%mul3A_2] : memref<10240xi32, #tpu.memory_space<hbm>> -> memref<320xi32, #tpu.memory_space<hbm>>
      tpu.enqueue_dma source(%dma_start3A_454 : memref<320xi32, #tpu.memory_space<hbm>>) target(%arg10 : memref<320xi32, #tpu.memory_space<vmem>>) target_semaphore(%run_scoped3A : memref<!tpu.dma_semaphore, #tpu.memory_space<semaphore_mem>>)
      %dma_wait3A = tpu.memref_slice %arg4[%mul3A_2] : memref<10240xi32, #tpu.memory_space<hbm>> -> memref<320xi32, #tpu.memory_space<hbm>>
      %dma_wait3A_455 = tpu.memref_slice %arg4[%mul3A_2] : memref<10240xi32, #tpu.memory_space<hbm>> -> memref<320xi32, #tpu.memory_space<hbm>>
      tpu.wait_dma2 semaphore(%run_scoped3A : memref<!tpu.dma_semaphore, #tpu.memory_space<semaphore_mem>>) src(%dma_wait3A_455 : memref<320xi32, #tpu.memory_space<hbm>>) dst(%arg10 : memref<320xi32, #tpu.memory_space<vmem>>)
      tpu.yield
    }) : () -> ()
    %get3A = arith.constant 0 : index
    %get3A_3 = tpu.vector_load %arg9[%get3A] {strides = array<i32>} : memref<320xi32, #tpu.memory_space<vmem>>, vector<16xi32>,
    %gather3A = tpu.vector_load_idx %arg8[%get3A_3] : memref<100000xi32, #tpu.memory_space<vmem>>[vector<16xi32>], vector<16xi32>,
    %shift_right_logical3A = arith.constant 4 : i32
    %shift_right_logical3A_4 = vector.broadcast %shift_right_logical3A : i32 to vector<16xi32>
    %shift_right_logical3A_5 = arith.shrui %gather3A, %shift_right_logical3A_4 : vector<16xi32>
    %and3A = arith.constant 15 : i32
    %and3A_6 = vector.broadcast %and3A : i32 to vector<16xi32>
    %and3A_7 = arith.andi %gather3A, %and3A_6 : vector<16xi32>
    %get3A_8 = arith.constant 0 : index
    %get3A_9 = tpu.vector_load %arg10[%get3A_8] {strides = array<i32>} : memref<320xi32, #tpu.memory_space<vmem>>, vector<16xi32>,
    %eq3A = arith.cmpi eq, %shift_right_logical3A_5, %get3A_9 : vector<16xi32>
    %jit3A = arith.constant 1 : i32
    %jit3A_10 = arith.constant 0 : i32
    %broadcast_in_dim3A = vector.broadcast %jit3A : i32 to vector<16xi32>
    %broadcast_in_dim3A_11 = vector.broadcast %jit3A_10 : i32 to vector<16xi32>
    %select_n3A = arith.select %eq3A, %broadcast_in_dim3A, %broadcast_in_dim3A_11 : vector<16xi1>, vector<16xi32>
    %swap3A = arith.constant 0 : index
    %swap3A_12 = tpu.vector_load %arg11[%swap3A] {strides = array<i32>} : memref<320xi32, #tpu.memory_space<vmem>>, vector<16xi32>,
    tpu.vector_store %arg11[%swap3A], %select_n3A {strides = array<i32>} : memref<320xi32, #tpu.memory_space<vmem>>, vector<16xi32>,
    %swap3A_13 = arith.constant 0 : index
    %swap3A_14 = tpu.vector_load %arg12[%swap3A_13] {strides = array<i32>} : memref<320xi32, #tpu.memory_space<vmem>>, vector<16xi32>,
    tpu.vector_store %arg12[%swap3A_13], %shift_right_logical3A_5 {strides = array<i32>} : memref<320xi32, #tpu.memory_space<vmem>>, vector<16xi32>,
    %swap3A_15 = arith.constant 0 : index
    %swap3A_16 = tpu.vector_load %arg13[%swap3A_15] {strides = array<i32>} : memref<320xi32, #tpu.memory_space<vmem>>, vector<16xi32>,
    tpu.vector_store %arg13[%swap3A_15], %and3A_7 {strides = array<i32>} : memref<320xi32, #tpu.memory_space<vmem>>, vector<16xi32>,
    %get3A_17 = arith.constant 16 : index
    %get3A_18 = tpu.vector_load %arg9[%get3A_17] {strides = array<i32>} : memref<320xi32, #tpu.memory_space<vmem>>, vector<16xi32>,
    %gather3A_19 = tpu.vector_load_idx %arg8[%get3A_18] : memref<100000xi32, #tpu.memory_space<vmem>>[vector<16xi32>], vector<16xi32>,
    %shift_right_logical3A_20 = arith.constant 4 : i32
    %shift_right_logical3A_21 = vector.broadcast %shift_right_logical3A_20 : i32 to vector<16xi32>
    %shift_right_logical3A_22 = arith.shrui %gather3A_19, %shift_right_logical3A_21 : vector<16xi32>
    %and3A_23 = arith.constant 15 : i32
    %and3A_24 = vector.broadcast %and3A_23 : i32 to vector<16xi32>
    %and3A_25 = arith.andi %gather3A_19, %and3A_24 : vector<16xi32>
    %get3A_26 = arith.constant 16 : index
    %get3A_27 = tpu.vector_load %arg10[%get3A_26] {strides = array<i32>} : memref<320xi32, #tpu.memory_space<vmem>>, vector<16xi32>,
    %eq3A_28 = arith.cmpi eq, %shift_right_logical3A_22, %get3A_27 : vector<16xi32>
    %jit3A_29 = arith.constant 1 : i32
    %jit3A_30 = arith.constant 0 : i32
    %broadcast_in_dim3A_31 = vector.broadcast %jit3A_29 : i32 to vector<16xi32>
    %broadcast_in_dim3A_32 = vector.broadcast %jit3A_30 : i32 to vector<16xi32>
    %select_n3A_33 = arith.select %eq3A_28, %broadcast_in_dim3A_31, %broadcast_in_dim3A_32 : vector<16xi1>, vector<16xi32>
    %swap3A_34 = arith.constant 16 : index
    %swap3A_35 = tpu.vector_load %arg11[%swap3A_34] {strides = array<i32>} : memref<320xi32, #tpu.memory_space<vmem>>, vector<16xi32>,
    tpu.vector_store %arg11[%swap3A_34], %select_n3A_33 {strides = array<i32>} : memref<320xi32, #tpu.memory_space<vmem>>, vector<16xi32>,
    %swap3A_36 = arith.constant 16 : index
    %swap3A_37 = tpu.vector_load %arg12[%swap3A_36] {strides = array<i32>} : memref<320xi32, #tpu.memory_space<vmem>>, vector<16xi32>,
    tpu.vector_store %arg12[%swap3A_36], %shift_right_logical3A_22 {strides = array<i32>} : memref<320xi32, #tpu.memory_space<vmem>>, vector<16xi32>,
    %swap3A_38 = arith.constant 16 : index
    %swap3A_39 = tpu.vector_load %arg13[%swap3A_38] {strides = array<i32>} : memref<320xi32, #tpu.memory_space<vmem>>, vector<16xi32>,
    tpu.vector_store %arg13[%swap3A_38], %and3A_25 {strides = array<i32>} : memref<320xi32, #tpu.memory_space<vmem>>, vector<16xi32>,
    %get3A_40 = arith.constant 32 : index
    %get3A_41 = tpu.vector_load %arg9[%get3A_40] {strides = array<i32>} : memref<320xi32, #tpu.memory_space<vmem>>, vector<16xi32>,
    %gather3A_42 = tpu.vector_load_idx %arg8[%get3A_41] : memref<100000xi32, #tpu.memory_space<vmem>>[vector<16xi32>], vector<16xi32>,
    %shift_right_logical3A_43 = arith.constant 4 : i32
    %shift_right_logical3A_44 = vector.broadcast %shift_right_logical3A_43 : i32 to vector<16xi32>
    %shift_right_logical3A_45 = arith.shrui %gather3A_42, %shift_right_logical3A_44 : vector<16xi32>
    %and3A_46 = arith.constant 15 : i32
    %and3A_47 = vector.broadcast %and3A_46 : i32 to vector<16xi32>
    %and3A_48 = arith.andi %gather3A_42, %and3A_47 : vector<16xi32>
    %get3A_49 = arith.constant 32 : index
    %get3A_50 = tpu.vector_load %arg10[%get3A_49] {strides = array<i32>} : memref<320xi32, #tpu.memory_space<vmem>>, vector<16xi32>,
    %eq3A_51 = arith.cmpi eq, %shift_right_logical3A_45, %get3A_50 : vector<16xi32>
    %jit3A_52 = arith.constant 1 : i32
    %jit3A_53 = arith.constant 0 : i32
    %broadcast_in_dim3A_54 = vector.broadcast %jit3A_52 : i32 to vector<16xi32>
    %broadcast_in_dim3A_55 = vector.broadcast %jit3A_53 : i32 to vector<16xi32>
    %select_n3A_56 = arith.select %eq3A_51, %broadcast_in_dim3A_54, %broadcast_in_dim3A_55 : vector<16xi1>, vector<16xi32>
    %swap3A_57 = arith.constant 32 : index
    %swap3A_58 = tpu.vector_load %arg11[%swap3A_57] {strides = array<i32>} : memref<320xi32, #tpu.memory_space<vmem>>, vector<16xi32>,
    tpu.vector_store %arg11[%swap3A_57], %select_n3A_56 {strides = array<i32>} : memref<320xi32, #tpu.memory_space<vmem>>, vector<16xi32>,
    %swap3A_59 = arith.constant 32 : index
    %swap3A_60 = tpu.vector_load %arg12[%swap3A_59] {strides = array<i32>} : memref<320xi32, #tpu.memory_space<vmem>>, vector<16xi32>,
    tpu.vector_store %arg12[%swap3A_59], %shift_right_logical3A_45 {strides = array<i32>} : memref<320xi32, #tpu.memory_space<vmem>>, vector<16xi32>,
    %swap3A_61 = arith.constant 32 : index
    %swap3A_62 = tpu.vector_load %arg13[%swap3A_61] {strides = array<i32>} : memref<320xi32, #tpu.memory_space<vmem>>, vector<16xi32>,
    tpu.vector_store %arg13[%swap3A_61], %and3A_48 {strides = array<i32>} : memref<320xi32, #tpu.memory_space<vmem>>, vector<16xi32>,
    %get3A_63 = arith.constant 48 : index
    %get3A_64 = tpu.vector_load %arg9[%get3A_63] {strides = array<i32>} : memref<320xi32, #tpu.memory_space<vmem>>, vector<16xi32>,
    %gather3A_65 = tpu.vector_load_idx %arg8[%get3A_64] : memref<100000xi32, #tpu.memory_space<vmem>>[vector<16xi32>], vector<16xi32>,
    %shift_right_logical3A_66 = arith.constant 4 : i32
    %shift_right_logical3A_67 = vector.broadcast %shift_right_logical3A_66 : i32 to vector<16xi32>
    %shift_right_logical3A_68 = arith.shrui %gather3A_65, %shift_right_logical3A_67 : vector<16xi32>
    %and3A_69 = arith.constant 15 : i32
    %and3A_70 = vector.broadcast %and3A_69 : i32 to vector<16xi32>
    %and3A_71 = arith.andi %gather3A_65, %and3A_70 : vector<16xi32>
    %get3A_72 = arith.constant 48 : index
    %get3A_73 = tpu.vector_load %arg10[%get3A_72] {strides = array<i32>} : memref<320xi32, #tpu.memory_space<vmem>>, vector<16xi32>,
    %eq3A_74 = arith.cmpi eq, %shift_right_logical3A_68, %get3A_73 : vector<16xi32>
    %jit3A_75 = arith.constant 1 : i32
    %jit3A_76 = arith.constant 0 : i32
    %broadcast_in_dim3A_77 = vector.broadcast %jit3A_75 : i32 to vector<16xi32>
    %broadcast_in_dim3A_78 = vector.broadcast %jit3A_76 : i32 to vector<16xi32>
    %select_n3A_79 = arith.select %eq3A_74, %broadcast_in_dim3A_77, %broadcast_in_dim3A_78 : vector<16xi1>, vector<16xi32>
    %swap3A_80 = arith.constant 48 : index
    %swap3A_81 = tpu.vector_load %arg11[%swap3A_80] {strides = array<i32>} : memref<320xi32, #tpu.memory_space<vmem>>, vector<16xi32>,
    tpu.vector_store %arg11[%swap3A_80], %select_n3A_79 {strides = array<i32>} : memref<320xi32, #tpu.memory_space<vmem>>, vector<16xi32>,
    %swap3A_82 = arith.constant 48 : index
    %swap3A_83 = tpu.vector_load %arg12[%swap3A_82] {strides = array<i32>} : memref<320xi32, #tpu.memory_space<vmem>>, vector<16xi32>,
    tpu.vector_store %arg12[%swap3A_82], %shift_right_logical3A_68 {strides = array<i32>} : memref<320xi32, #tpu.memory_space<vmem>>, vector<16xi32>,
    %swap3A_84 = arith.constant 48 : index
    %swap3A_85 = tpu.vector_load %arg13[%swap3A_84] {strides = array<i32>} : memref<320xi32, #tpu.memory_space<vmem>>, vector<16xi32>,
    tpu.vector_store %arg13[%swap3A_84], %and3A_71 {strides = array<i32>} : memref<320xi32, #tpu.memory_space<vmem>>, vector<16xi32>,
    %get3A_86 = arith.constant 64 : index
    %get3A_87 = tpu.vector_load %arg9[%get3A_86] {strides = array<i32>} : memref<320xi32, #tpu.memory_space<vmem>>, vector<16xi32>,
    %gather3A_88 = tpu.vector_load_idx %arg8[%get3A_87] : memref<100000xi32, #tpu.memory_space<vmem>>[vector<16xi32>], vector<16xi32>,
    %shift_right_logical3A_89 = arith.constant 4 : i32
    %shift_right_logical3A_90 = vector.broadcast %shift_right_logical3A_89 : i32 to vector<16xi32>
    %shift_right_logical3A_91 = arith.shrui %gather3A_88, %shift_right_logical3A_90 : vector<16xi32>
    %and3A_92 = arith.constant 15 : i32
    %and3A_93 = vector.broadcast %and3A_92 : i32 to vector<16xi32>
    %and3A_94 = arith.andi %gather3A_88, %and3A_93 : vector<16xi32>
    %get3A_95 = arith.constant 64 : index
    %get3A_96 = tpu.vector_load %arg10[%get3A_95] {strides = array<i32>} : memref<320xi32, #tpu.memory_space<vmem>>, vector<16xi32>,
    %eq3A_97 = arith.cmpi eq, %shift_right_logical3A_91, %get3A_96 : vector<16xi32>
    %jit3A_98 = arith.constant 1 : i32
    %jit3A_99 = arith.constant 0 : i32
    %broadcast_in_dim3A_100 = vector.broadcast %jit3A_98 : i32 to vector<16xi32>
    %broadcast_in_dim3A_101 = vector.broadcast %jit3A_99 : i32 to vector<16xi32>
    %select_n3A_102 = arith.select %eq3A_97, %broadcast_in_dim3A_100, %broadcast_in_dim3A_101 : vector<16xi1>, vector<16xi32>
    %swap3A_103 = arith.constant 64 : index
    %swap3A_104 = tpu.vector_load %arg11[%swap3A_103] {strides = array<i32>} : memref<320xi32, #tpu.memory_space<vmem>>, vector<16xi32>,
    tpu.vector_store %arg11[%swap3A_103], %select_n3A_102 {strides = array<i32>} : memref<320xi32, #tpu.memory_space<vmem>>, vector<16xi32>,
    %swap3A_105 = arith.constant 64 : index
    %swap3A_106 = tpu.vector_load %arg12[%swap3A_105] {strides = array<i32>} : memref<320xi32, #tpu.memory_space<vmem>>, vector<16xi32>,
    tpu.vector_store %arg12[%swap3A_105], %shift_right_logical3A_91 {strides = array<i32>} : memref<320xi32, #tpu.memory_space<vmem>>, vector<16xi32>,
    %swap3A_107 = arith.constant 64 : index
    %swap3A_108 = tpu.vector_load %arg13[%swap3A_107] {strides = array<i32>} : memref<320xi32, #tpu.memory_space<vmem>>, vector<16xi32>,
    tpu.vector_store %arg13[%swap3A_107], %and3A_94 {strides = array<i32>} : memref<320xi32, #tpu.memory_space<vmem>>, vector<16xi32>,
    %get3A_109 = arith.constant 80 : index
    %get3A_110 = tpu.vector_load %arg9[%get3A_109] {strides = array<i32>} : memref<320xi32, #tpu.memory_space<vmem>>, vector<16xi32>,
    %gather3A_111 = tpu.vector_load_idx %arg8[%get3A_110] : memref<100000xi32, #tpu.memory_space<vmem>>[vector<16xi32>], vector<16xi32>,
    %shift_right_logical3A_112 = arith.constant 4 : i32
    %shift_right_logical3A_113 = vector.broadcast %shift_right_logical3A_112 : i32 to vector<16xi32>
    %shift_right_logical3A_114 = arith.shrui %gather3A_111, %shift_right_logical3A_113 : vector<16xi32>
    %and3A_115 = arith.constant 15 : i32
    %and3A_116 = vector.broadcast %and3A_115 : i32 to vector<16xi32>
    %and3A_117 = arith.andi %gather3A_111, %and3A_116 : vector<16xi32>
    %get3A_118 = arith.constant 80 : index
    %get3A_119 = tpu.vector_load %arg10[%get3A_118] {strides = array<i32>} : memref<320xi32, #tpu.memory_space<vmem>>, vector<16xi32>,
    %eq3A_120 = arith.cmpi eq, %shift_right_logical3A_114, %get3A_119 : vector<16xi32>
    %jit3A_121 = arith.constant 1 : i32
    %jit3A_122 = arith.constant 0 : i32
    %broadcast_in_dim3A_123 = vector.broadcast %jit3A_121 : i32 to vector<16xi32>
    %broadcast_in_dim3A_124 = vector.broadcast %jit3A_122 : i32 to vector<16xi32>
    %select_n3A_125 = arith.select %eq3A_120, %broadcast_in_dim3A_123, %broadcast_in_dim3A_124 : vector<16xi1>, vector<16xi32>
    %swap3A_126 = arith.constant 80 : index
    %swap3A_127 = tpu.vector_load %arg11[%swap3A_126] {strides = array<i32>} : memref<320xi32, #tpu.memory_space<vmem>>, vector<16xi32>,
    tpu.vector_store %arg11[%swap3A_126], %select_n3A_125 {strides = array<i32>} : memref<320xi32, #tpu.memory_space<vmem>>, vector<16xi32>,
    %swap3A_128 = arith.constant 80 : index
    %swap3A_129 = tpu.vector_load %arg12[%swap3A_128] {strides = array<i32>} : memref<320xi32, #tpu.memory_space<vmem>>, vector<16xi32>,
    tpu.vector_store %arg12[%swap3A_128], %shift_right_logical3A_114 {strides = array<i32>} : memref<320xi32, #tpu.memory_space<vmem>>, vector<16xi32>,
    %swap3A_130 = arith.constant 80 : index
    %swap3A_131 = tpu.vector_load %arg13[%swap3A_130] {strides = array<i32>} : memref<320xi32, #tpu.memory_space<vmem>>, vector<16xi32>,
    tpu.vector_store %arg13[%swap3A_130], %and3A_117 {strides = array<i32>} : memref<320xi32, #tpu.memory_space<vmem>>, vector<16xi32>,
    %get3A_132 = arith.constant 96 : index
    %get3A_133 = tpu.vector_load %arg9[%get3A_132] {strides = array<i32>} : memref<320xi32, #tpu.memory_space<vmem>>, vector<16xi32>,
    %gather3A_134 = tpu.vector_load_idx %arg8[%get3A_133] : memref<100000xi32, #tpu.memory_space<vmem>>[vector<16xi32>], vector<16xi32>,
    %shift_right_logical3A_135 = arith.constant 4 : i32
    %shift_right_logical3A_136 = vector.broadcast %shift_right_logical3A_135 : i32 to vector<16xi32>
    %shift_right_logical3A_137 = arith.shrui %gather3A_134, %shift_right_logical3A_136 : vector<16xi32>
    %and3A_138 = arith.constant 15 : i32
    %and3A_139 = vector.broadcast %and3A_138 : i32 to vector<16xi32>
    %and3A_140 = arith.andi %gather3A_134, %and3A_139 : vector<16xi32>
    %get3A_141 = arith.constant 96 : index
    %get3A_142 = tpu.vector_load %arg10[%get3A_141] {strides = array<i32>} : memref<320xi32, #tpu.memory_space<vmem>>, vector<16xi32>,
    %eq3A_143 = arith.cmpi eq, %shift_right_logical3A_137, %get3A_142 : vector<16xi32>
    %jit3A_144 = arith.constant 1 : i32
    %jit3A_145 = arith.constant 0 : i32
    %broadcast_in_dim3A_146 = vector.broadcast %jit3A_144 : i32 to vector<16xi32>
    %broadcast_in_dim3A_147 = vector.broadcast %jit3A_145 : i32 to vector<16xi32>
    %select_n3A_148 = arith.select %eq3A_143, %broadcast_in_dim3A_146, %broadcast_in_dim3A_147 : vector<16xi1>, vector<16xi32>
    %swap3A_149 = arith.constant 96 : index
    %swap3A_150 = tpu.vector_load %arg11[%swap3A_149] {strides = array<i32>} : memref<320xi32, #tpu.memory_space<vmem>>, vector<16xi32>,
    tpu.vector_store %arg11[%swap3A_149], %select_n3A_148 {strides = array<i32>} : memref<320xi32, #tpu.memory_space<vmem>>, vector<16xi32>,
    %swap3A_151 = arith.constant 96 : index
    %swap3A_152 = tpu.vector_load %arg12[%swap3A_151] {strides = array<i32>} : memref<320xi32, #tpu.memory_space<vmem>>, vector<16xi32>,
    tpu.vector_store %arg12[%swap3A_151], %shift_right_logical3A_137 {strides = array<i32>} : memref<320xi32, #tpu.memory_space<vmem>>, vector<16xi32>,
    %swap3A_153 = arith.constant 96 : index
    %swap3A_154 = tpu.vector_load %arg13[%swap3A_153] {strides = array<i32>} : memref<320xi32, #tpu.memory_space<vmem>>, vector<16xi32>,
    tpu.vector_store %arg13[%swap3A_153], %and3A_140 {strides = array<i32>} : memref<320xi32, #tpu.memory_space<vmem>>, vector<16xi32>,
    %get3A_155 = arith.constant 112 : index
    %get3A_156 = tpu.vector_load %arg9[%get3A_155] {strides = array<i32>} : memref<320xi32, #tpu.memory_space<vmem>>, vector<16xi32>,
    %gather3A_157 = tpu.vector_load_idx %arg8[%get3A_156] : memref<100000xi32, #tpu.memory_space<vmem>>[vector<16xi32>], vector<16xi32>,
    %shift_right_logical3A_158 = arith.constant 4 : i32
    %shift_right_logical3A_159 = vector.broadcast %shift_right_logical3A_158 : i32 to vector<16xi32>
    %shift_right_logical3A_160 = arith.shrui %gather3A_157, %shift_right_logical3A_159 : vector<16xi32>
    %and3A_161 = arith.constant 15 : i32
    %and3A_162 = vector.broadcast %and3A_161 : i32 to vector<16xi32>
    %and3A_163 = arith.andi %gather3A_157, %and3A_162 : vector<16xi32>
    %get3A_164 = arith.constant 112 : index
    %get3A_165 = tpu.vector_load %arg10[%get3A_164] {strides = array<i32>} : memref<320xi32, #tpu.memory_space<vmem>>, vector<16xi32>,
    %eq3A_166 = arith.cmpi eq, %shift_right_logical3A_160, %get3A_165 : vector<16xi32>
    %jit3A_167 = arith.constant 1 : i32
    %jit3A_168 = arith.constant 0 : i32
    %broadcast_in_dim3A_169 = vector.broadcast %jit3A_167 : i32 to vector<16xi32>
    %broadcast_in_dim3A_170 = vector.broadcast %jit3A_168 : i32 to vector<16xi32>
    %select_n3A_171 = arith.select %eq3A_166, %broadcast_in_dim3A_169, %broadcast_in_dim3A_170 : vector<16xi1>, vector<16xi32>
    %swap3A_172 = arith.constant 112 : index
    %swap3A_173 = tpu.vector_load %arg11[%swap3A_172] {strides = array<i32>} : memref<320xi32, #tpu.memory_space<vmem>>, vector<16xi32>,
    tpu.vector_store %arg11[%swap3A_172], %select_n3A_171 {strides = array<i32>} : memref<320xi32, #tpu.memory_space<vmem>>, vector<16xi32>,
    %swap3A_174 = arith.constant 112 : index
    %swap3A_175 = tpu.vector_load %arg12[%swap3A_174] {strides = array<i32>} : memref<320xi32, #tpu.memory_space<vmem>>, vector<16xi32>,
    tpu.vector_store %arg12[%swap3A_174], %shift_right_logical3A_160 {strides = array<i32>} : memref<320xi32, #tpu.memory_space<vmem>>, vector<16xi32>,
    %swap3A_176 = arith.constant 112 : index
    %swap3A_177 = tpu.vector_load %arg13[%swap3A_176] {strides = array<i32>} : memref<320xi32, #tpu.memory_space<vmem>>, vector<16xi32>,
    tpu.vector_store %arg13[%swap3A_176], %and3A_163 {strides = array<i32>} : memref<320xi32, #tpu.memory_space<vmem>>, vector<16xi32>,
    %get3A_178 = arith.constant 128 : index
    %get3A_179 = tpu.vector_load %arg9[%get3A_178] {strides = array<i32>} : memref<320xi32, #tpu.memory_space<vmem>>, vector<16xi32>,
    %gather3A_180 = tpu.vector_load_idx %arg8[%get3A_179] : memref<100000xi32, #tpu.memory_space<vmem>>[vector<16xi32>], vector<16xi32>,
    %shift_right_logical3A_181 = arith.constant 4 : i32
    %shift_right_logical3A_182 = vector.broadcast %shift_right_logical3A_181 : i32 to vector<16xi32>
    %shift_right_logical3A_183 = arith.shrui %gather3A_180, %shift_right_logical3A_182 : vector<16xi32>
    %and3A_184 = arith.constant 15 : i32
    %and3A_185 = vector.broadcast %and3A_184 : i32 to vector<16xi32>
    %and3A_186 = arith.andi %gather3A_180, %and3A_185 : vector<16xi32>
    %get3A_187 = arith.constant 128 : index
    %get3A_188 = tpu.vector_load %arg10[%get3A_187] {strides = array<i32>} : memref<320xi32, #tpu.memory_space<vmem>>, vector<16xi32>,
    %eq3A_189 = arith.cmpi eq, %shift_right_logical3A_183, %get3A_188 : vector<16xi32>
    %jit3A_190 = arith.constant 1 : i32
    %jit3A_191 = arith.constant 0 : i32
    %broadcast_in_dim3A_192 = vector.broadcast %jit3A_190 : i32 to vector<16xi32>
    %broadcast_in_dim3A_193 = vector.broadcast %jit3A_191 : i32 to vector<16xi32>
    %select_n3A_194 = arith.select %eq3A_189, %broadcast_in_dim3A_192, %broadcast_in_dim3A_193 : vector<16xi1>, vector<16xi32>
    %swap3A_195 = arith.constant 128 : index
    %swap3A_196 = tpu.vector_load %arg11[%swap3A_195] {strides = array<i32>} : memref<320xi32, #tpu.memory_space<vmem>>, vector<16xi32>,
    tpu.vector_store %arg11[%swap3A_195], %select_n3A_194 {strides = array<i32>} : memref<320xi32, #tpu.memory_space<vmem>>, vector<16xi32>,
    %swap3A_197 = arith.constant 128 : index
    %swap3A_198 = tpu.vector_load %arg12[%swap3A_197] {strides = array<i32>} : memref<320xi32, #tpu.memory_space<vmem>>, vector<16xi32>,
    tpu.vector_store %arg12[%swap3A_197], %shift_right_logical3A_183 {strides = array<i32>} : memref<320xi32, #tpu.memory_space<vmem>>, vector<16xi32>,
    %swap3A_199 = arith.constant 128 : index
    %swap3A_200 = tpu.vector_load %arg13[%swap3A_199] {strides = array<i32>} : memref<320xi32, #tpu.memory_space<vmem>>, vector<16xi32>,
    tpu.vector_store %arg13[%swap3A_199], %and3A_186 {strides = array<i32>} : memref<320xi32, #tpu.memory_space<vmem>>, vector<16xi32>,
    %get3A_201 = arith.constant 144 : index
    %get3A_202 = tpu.vector_load %arg9[%get3A_201] {strides = array<i32>} : memref<320xi32, #tpu.memory_space<vmem>>, vector<16xi32>,
    %gather3A_203 = tpu.vector_load_idx %arg8[%get3A_202] : memref<100000xi32, #tpu.memory_space<vmem>>[vector<16xi32>], vector<16xi32>,
    %shift_right_logical3A_204 = arith.constant 4 : i32
    %shift_right_logical3A_205 = vector.broadcast %shift_right_logical3A_204 : i32 to vector<16xi32>
    %shift_right_logical3A_206 = arith.shrui %gather3A_203, %shift_right_logical3A_205 : vector<16xi32>
    %and3A_207 = arith.constant 15 : i32
    %and3A_208 = vector.broadcast %and3A_207 : i32 to vector<16xi32>
    %and3A_209 = arith.andi %gather3A_203, %and3A_208 : vector<16xi32>
    %get3A_210 = arith.constant 144 : index
    %get3A_211 = tpu.vector_load %arg10[%get3A_210] {strides = array<i32>} : memref<320xi32, #tpu.memory_space<vmem>>, vector<16xi32>,
    %eq3A_212 = arith.cmpi eq, %shift_right_logical3A_206, %get3A_211 : vector<16xi32>
    %jit3A_213 = arith.constant 1 : i32
    %jit3A_214 = arith.constant 0 : i32
    %broadcast_in_dim3A_215 = vector.broadcast %jit3A_213 : i32 to vector<16xi32>
    %broadcast_in_dim3A_216 = vector.broadcast %jit3A_214 : i32 to vector<16xi32>
    %select_n3A_217 = arith.select %eq3A_212, %broadcast_in_dim3A_215, %broadcast_in_dim3A_216 : vector<16xi1>, vector<16xi32>
    %swap3A_218 = arith.constant 144 : index
    %swap3A_219 = tpu.vector_load %arg11[%swap3A_218] {strides = array<i32>} : memref<320xi32, #tpu.memory_space<vmem>>, vector<16xi32>,
    tpu.vector_store %arg11[%swap3A_218], %select_n3A_217 {strides = array<i32>} : memref<320xi32, #tpu.memory_space<vmem>>, vector<16xi32>,
    %swap3A_220 = arith.constant 144 : index
    %swap3A_221 = tpu.vector_load %arg12[%swap3A_220] {strides = array<i32>} : memref<320xi32, #tpu.memory_space<vmem>>, vector<16xi32>,
    tpu.vector_store %arg12[%swap3A_220], %shift_right_logical3A_206 {strides = array<i32>} : memref<320xi32, #tpu.memory_space<vmem>>, vector<16xi32>,
    %swap3A_222 = arith.constant 144 : index
    %swap3A_223 = tpu.vector_load %arg13[%swap3A_222] {strides = array<i32>} : memref<320xi32, #tpu.memory_space<vmem>>, vector<16xi32>,
    tpu.vector_store %arg13[%swap3A_222], %and3A_209 {strides = array<i32>} : memref<320xi32, #tpu.memory_space<vmem>>, vector<16xi32>,
    %get3A_224 = arith.constant 160 : index
    %get3A_225 = tpu.vector_load %arg9[%get3A_224] {strides = array<i32>} : memref<320xi32, #tpu.memory_space<vmem>>, vector<16xi32>,
    %gather3A_226 = tpu.vector_load_idx %arg8[%get3A_225] : memref<100000xi32, #tpu.memory_space<vmem>>[vector<16xi32>], vector<16xi32>,
    %shift_right_logical3A_227 = arith.constant 4 : i32
    %shift_right_logical3A_228 = vector.broadcast %shift_right_logical3A_227 : i32 to vector<16xi32>
    %shift_right_logical3A_229 = arith.shrui %gather3A_226, %shift_right_logical3A_228 : vector<16xi32>
    %and3A_230 = arith.constant 15 : i32
    %and3A_231 = vector.broadcast %and3A_230 : i32 to vector<16xi32>
    %and3A_232 = arith.andi %gather3A_226, %and3A_231 : vector<16xi32>
    %get3A_233 = arith.constant 160 : index
    %get3A_234 = tpu.vector_load %arg10[%get3A_233] {strides = array<i32>} : memref<320xi32, #tpu.memory_space<vmem>>, vector<16xi32>,
    %eq3A_235 = arith.cmpi eq, %shift_right_logical3A_229, %get3A_234 : vector<16xi32>
    %jit3A_236 = arith.constant 1 : i32
    %jit3A_237 = arith.constant 0 : i32
    %broadcast_in_dim3A_238 = vector.broadcast %jit3A_236 : i32 to vector<16xi32>
    %broadcast_in_dim3A_239 = vector.broadcast %jit3A_237 : i32 to vector<16xi32>
    %select_n3A_240 = arith.select %eq3A_235, %broadcast_in_dim3A_238, %broadcast_in_dim3A_239 : vector<16xi1>, vector<16xi32>
    %swap3A_241 = arith.constant 160 : index
    %swap3A_242 = tpu.vector_load %arg11[%swap3A_241] {strides = array<i32>} : memref<320xi32, #tpu.memory_space<vmem>>, vector<16xi32>,
    tpu.vector_store %arg11[%swap3A_241], %select_n3A_240 {strides = array<i32>} : memref<320xi32, #tpu.memory_space<vmem>>, vector<16xi32>,
    %swap3A_243 = arith.constant 160 : index
    %swap3A_244 = tpu.vector_load %arg12[%swap3A_243] {strides = array<i32>} : memref<320xi32, #tpu.memory_space<vmem>>, vector<16xi32>,
    tpu.vector_store %arg12[%swap3A_243], %shift_right_logical3A_229 {strides = array<i32>} : memref<320xi32, #tpu.memory_space<vmem>>, vector<16xi32>,
    %swap3A_245 = arith.constant 160 : index
    %swap3A_246 = tpu.vector_load %arg13[%swap3A_245] {strides = array<i32>} : memref<320xi32, #tpu.memory_space<vmem>>, vector<16xi32>,
    tpu.vector_store %arg13[%swap3A_245], %and3A_232 {strides = array<i32>} : memref<320xi32, #tpu.memory_space<vmem>>, vector<16xi32>,
    %get3A_247 = arith.constant 176 : index
    %get3A_248 = tpu.vector_load %arg9[%get3A_247] {strides = array<i32>} : memref<320xi32, #tpu.memory_space<vmem>>, vector<16xi32>,
    %gather3A_249 = tpu.vector_load_idx %arg8[%get3A_248] : memref<100000xi32, #tpu.memory_space<vmem>>[vector<16xi32>], vector<16xi32>,
    %shift_right_logical3A_250 = arith.constant 4 : i32
    %shift_right_logical3A_251 = vector.broadcast %shift_right_logical3A_250 : i32 to vector<16xi32>
    %shift_right_logical3A_252 = arith.shrui %gather3A_249, %shift_right_logical3A_251 : vector<16xi32>
    %and3A_253 = arith.constant 15 : i32
    %and3A_254 = vector.broadcast %and3A_253 : i32 to vector<16xi32>
    %and3A_255 = arith.andi %gather3A_249, %and3A_254 : vector<16xi32>
    %get3A_256 = arith.constant 176 : index
    %get3A_257 = tpu.vector_load %arg10[%get3A_256] {strides = array<i32>} : memref<320xi32, #tpu.memory_space<vmem>>, vector<16xi32>,
    %eq3A_258 = arith.cmpi eq, %shift_right_logical3A_252, %get3A_257 : vector<16xi32>
    %jit3A_259 = arith.constant 1 : i32
    %jit3A_260 = arith.constant 0 : i32
    %broadcast_in_dim3A_261 = vector.broadcast %jit3A_259 : i32 to vector<16xi32>
    %broadcast_in_dim3A_262 = vector.broadcast %jit3A_260 : i32 to vector<16xi32>
    %select_n3A_263 = arith.select %eq3A_258, %broadcast_in_dim3A_261, %broadcast_in_dim3A_262 : vector<16xi1>, vector<16xi32>
    %swap3A_264 = arith.constant 176 : index
    %swap3A_265 = tpu.vector_load %arg11[%swap3A_264] {strides = array<i32>} : memref<320xi32, #tpu.memory_space<vmem>>, vector<16xi32>,
    tpu.vector_store %arg11[%swap3A_264], %select_n3A_263 {strides = array<i32>} : memref<320xi32, #tpu.memory_space<vmem>>, vector<16xi32>,
    %swap3A_266 = arith.constant 176 : index
    %swap3A_267 = tpu.vector_load %arg12[%swap3A_266] {strides = array<i32>} : memref<320xi32, #tpu.memory_space<vmem>>, vector<16xi32>,
    tpu.vector_store %arg12[%swap3A_266], %shift_right_logical3A_252 {strides = array<i32>} : memref<320xi32, #tpu.memory_space<vmem>>, vector<16xi32>,
    %swap3A_268 = arith.constant 176 : index
    %swap3A_269 = tpu.vector_load %arg13[%swap3A_268] {strides = array<i32>} : memref<320xi32, #tpu.memory_space<vmem>>, vector<16xi32>,
    tpu.vector_store %arg13[%swap3A_268], %and3A_255 {strides = array<i32>} : memref<320xi32, #tpu.memory_space<vmem>>, vector<16xi32>,
    %get3A_270 = arith.constant 192 : index
    %get3A_271 = tpu.vector_load %arg9[%get3A_270] {strides = array<i32>} : memref<320xi32, #tpu.memory_space<vmem>>, vector<16xi32>,
    %gather3A_272 = tpu.vector_load_idx %arg8[%get3A_271] : memref<100000xi32, #tpu.memory_space<vmem>>[vector<16xi32>], vector<16xi32>,
    %shift_right_logical3A_273 = arith.constant 4 : i32
    %shift_right_logical3A_274 = vector.broadcast %shift_right_logical3A_273 : i32 to vector<16xi32>
    %shift_right_logical3A_275 = arith.shrui %gather3A_272, %shift_right_logical3A_274 : vector<16xi32>
    %and3A_276 = arith.constant 15 : i32
    %and3A_277 = vector.broadcast %and3A_276 : i32 to vector<16xi32>
    %and3A_278 = arith.andi %gather3A_272, %and3A_277 : vector<16xi32>
    %get3A_279 = arith.constant 192 : index
    %get3A_280 = tpu.vector_load %arg10[%get3A_279] {strides = array<i32>} : memref<320xi32, #tpu.memory_space<vmem>>, vector<16xi32>,
    %eq3A_281 = arith.cmpi eq, %shift_right_logical3A_275, %get3A_280 : vector<16xi32>
    %jit3A_282 = arith.constant 1 : i32
    %jit3A_283 = arith.constant 0 : i32
    %broadcast_in_dim3A_284 = vector.broadcast %jit3A_282 : i32 to vector<16xi32>
    %broadcast_in_dim3A_285 = vector.broadcast %jit3A_283 : i32 to vector<16xi32>
    %select_n3A_286 = arith.select %eq3A_281, %broadcast_in_dim3A_284, %broadcast_in_dim3A_285 : vector<16xi1>, vector<16xi32>
    %swap3A_287 = arith.constant 192 : index
    %swap3A_288 = tpu.vector_load %arg11[%swap3A_287] {strides = array<i32>} : memref<320xi32, #tpu.memory_space<vmem>>, vector<16xi32>,
    tpu.vector_store %arg11[%swap3A_287], %select_n3A_286 {strides = array<i32>} : memref<320xi32, #tpu.memory_space<vmem>>, vector<16xi32>,
    %swap3A_289 = arith.constant 192 : index
    %swap3A_290 = tpu.vector_load %arg12[%swap3A_289] {strides = array<i32>} : memref<320xi32, #tpu.memory_space<vmem>>, vector<16xi32>,
    tpu.vector_store %arg12[%swap3A_289], %shift_right_logical3A_275 {strides = array<i32>} : memref<320xi32, #tpu.memory_space<vmem>>, vector<16xi32>,
    %swap3A_291 = arith.constant 192 : index
    %swap3A_292 = tpu.vector_load %arg13[%swap3A_291] {strides = array<i32>} : memref<320xi32, #tpu.memory_space<vmem>>, vector<16xi32>,
    tpu.vector_store %arg13[%swap3A_291], %and3A_278 {strides = array<i32>} : memref<320xi32, #tpu.memory_space<vmem>>, vector<16xi32>,
    %get3A_293 = arith.constant 208 : index
    %get3A_294 = tpu.vector_load %arg9[%get3A_293] {strides = array<i32>} : memref<320xi32, #tpu.memory_space<vmem>>, vector<16xi32>,
    %gather3A_295 = tpu.vector_load_idx %arg8[%get3A_294] : memref<100000xi32, #tpu.memory_space<vmem>>[vector<16xi32>], vector<16xi32>,
    %shift_right_logical3A_296 = arith.constant 4 : i32
    %shift_right_logical3A_297 = vector.broadcast %shift_right_logical3A_296 : i32 to vector<16xi32>
    %shift_right_logical3A_298 = arith.shrui %gather3A_295, %shift_right_logical3A_297 : vector<16xi32>
    %and3A_299 = arith.constant 15 : i32
    %and3A_300 = vector.broadcast %and3A_299 : i32 to vector<16xi32>
    %and3A_301 = arith.andi %gather3A_295, %and3A_300 : vector<16xi32>
    %get3A_302 = arith.constant 208 : index
    %get3A_303 = tpu.vector_load %arg10[%get3A_302] {strides = array<i32>} : memref<320xi32, #tpu.memory_space<vmem>>, vector<16xi32>,
    %eq3A_304 = arith.cmpi eq, %shift_right_logical3A_298, %get3A_303 : vector<16xi32>
    %jit3A_305 = arith.constant 1 : i32
    %jit3A_306 = arith.constant 0 : i32
    %broadcast_in_dim3A_307 = vector.broadcast %jit3A_305 : i32 to vector<16xi32>
    %broadcast_in_dim3A_308 = vector.broadcast %jit3A_306 : i32 to vector<16xi32>
    %select_n3A_309 = arith.select %eq3A_304, %broadcast_in_dim3A_307, %broadcast_in_dim3A_308 : vector<16xi1>, vector<16xi32>
    %swap3A_310 = arith.constant 208 : index
    %swap3A_311 = tpu.vector_load %arg11[%swap3A_310] {strides = array<i32>} : memref<320xi32, #tpu.memory_space<vmem>>, vector<16xi32>,
    tpu.vector_store %arg11[%swap3A_310], %select_n3A_309 {strides = array<i32>} : memref<320xi32, #tpu.memory_space<vmem>>, vector<16xi32>,
    %swap3A_312 = arith.constant 208 : index
    %swap3A_313 = tpu.vector_load %arg12[%swap3A_312] {strides = array<i32>} : memref<320xi32, #tpu.memory_space<vmem>>, vector<16xi32>,
    tpu.vector_store %arg12[%swap3A_312], %shift_right_logical3A_298 {strides = array<i32>} : memref<320xi32, #tpu.memory_space<vmem>>, vector<16xi32>,
    %swap3A_314 = arith.constant 208 : index
    %swap3A_315 = tpu.vector_load %arg13[%swap3A_314] {strides = array<i32>} : memref<320xi32, #tpu.memory_space<vmem>>, vector<16xi32>,
    tpu.vector_store %arg13[%swap3A_314], %and3A_301 {strides = array<i32>} : memref<320xi32, #tpu.memory_space<vmem>>, vector<16xi32>,
    %get3A_316 = arith.constant 224 : index
    %get3A_317 = tpu.vector_load %arg9[%get3A_316] {strides = array<i32>} : memref<320xi32, #tpu.memory_space<vmem>>, vector<16xi32>,
    %gather3A_318 = tpu.vector_load_idx %arg8[%get3A_317] : memref<100000xi32, #tpu.memory_space<vmem>>[vector<16xi32>], vector<16xi32>,
    %shift_right_logical3A_319 = arith.constant 4 : i32
    %shift_right_logical3A_320 = vector.broadcast %shift_right_logical3A_319 : i32 to vector<16xi32>
    %shift_right_logical3A_321 = arith.shrui %gather3A_318, %shift_right_logical3A_320 : vector<16xi32>
    %and3A_322 = arith.constant 15 : i32
    %and3A_323 = vector.broadcast %and3A_322 : i32 to vector<16xi32>
    %and3A_324 = arith.andi %gather3A_318, %and3A_323 : vector<16xi32>
    %get3A_325 = arith.constant 224 : index
    %get3A_326 = tpu.vector_load %arg10[%get3A_325] {strides = array<i32>} : memref<320xi32, #tpu.memory_space<vmem>>, vector<16xi32>,
    %eq3A_327 = arith.cmpi eq, %shift_right_logical3A_321, %get3A_326 : vector<16xi32>
    %jit3A_328 = arith.constant 1 : i32
    %jit3A_329 = arith.constant 0 : i32
    %broadcast_in_dim3A_330 = vector.broadcast %jit3A_328 : i32 to vector<16xi32>
    %broadcast_in_dim3A_331 = vector.broadcast %jit3A_329 : i32 to vector<16xi32>
    %select_n3A_332 = arith.select %eq3A_327, %broadcast_in_dim3A_330, %broadcast_in_dim3A_331 : vector<16xi1>, vector<16xi32>
    %swap3A_333 = arith.constant 224 : index
    %swap3A_334 = tpu.vector_load %arg11[%swap3A_333] {strides = array<i32>} : memref<320xi32, #tpu.memory_space<vmem>>, vector<16xi32>,
    tpu.vector_store %arg11[%swap3A_333], %select_n3A_332 {strides = array<i32>} : memref<320xi32, #tpu.memory_space<vmem>>, vector<16xi32>,
    %swap3A_335 = arith.constant 224 : index
    %swap3A_336 = tpu.vector_load %arg12[%swap3A_335] {strides = array<i32>} : memref<320xi32, #tpu.memory_space<vmem>>, vector<16xi32>,
    tpu.vector_store %arg12[%swap3A_335], %shift_right_logical3A_321 {strides = array<i32>} : memref<320xi32, #tpu.memory_space<vmem>>, vector<16xi32>,
    %swap3A_337 = arith.constant 224 : index
    %swap3A_338 = tpu.vector_load %arg13[%swap3A_337] {strides = array<i32>} : memref<320xi32, #tpu.memory_space<vmem>>, vector<16xi32>,
    tpu.vector_store %arg13[%swap3A_337], %and3A_324 {strides = array<i32>} : memref<320xi32, #tpu.memory_space<vmem>>, vector<16xi32>,
    %get3A_339 = arith.constant 240 : index
    %get3A_340 = tpu.vector_load %arg9[%get3A_339] {strides = array<i32>} : memref<320xi32, #tpu.memory_space<vmem>>, vector<16xi32>,
    %gather3A_341 = tpu.vector_load_idx %arg8[%get3A_340] : memref<100000xi32, #tpu.memory_space<vmem>>[vector<16xi32>], vector<16xi32>,
    %shift_right_logical3A_342 = arith.constant 4 : i32
    %shift_right_logical3A_343 = vector.broadcast %shift_right_logical3A_342 : i32 to vector<16xi32>
    %shift_right_logical3A_344 = arith.shrui %gather3A_341, %shift_right_logical3A_343 : vector<16xi32>
    %and3A_345 = arith.constant 15 : i32
    %and3A_346 = vector.broadcast %and3A_345 : i32 to vector<16xi32>
    %and3A_347 = arith.andi %gather3A_341, %and3A_346 : vector<16xi32>
    %get3A_348 = arith.constant 240 : index
    %get3A_349 = tpu.vector_load %arg10[%get3A_348] {strides = array<i32>} : memref<320xi32, #tpu.memory_space<vmem>>, vector<16xi32>,
    %eq3A_350 = arith.cmpi eq, %shift_right_logical3A_344, %get3A_349 : vector<16xi32>
    %jit3A_351 = arith.constant 1 : i32
    %jit3A_352 = arith.constant 0 : i32
    %broadcast_in_dim3A_353 = vector.broadcast %jit3A_351 : i32 to vector<16xi32>
    %broadcast_in_dim3A_354 = vector.broadcast %jit3A_352 : i32 to vector<16xi32>
    %select_n3A_355 = arith.select %eq3A_350, %broadcast_in_dim3A_353, %broadcast_in_dim3A_354 : vector<16xi1>, vector<16xi32>
    %swap3A_356 = arith.constant 240 : index
    %swap3A_357 = tpu.vector_load %arg11[%swap3A_356] {strides = array<i32>} : memref<320xi32, #tpu.memory_space<vmem>>, vector<16xi32>,
    tpu.vector_store %arg11[%swap3A_356], %select_n3A_355 {strides = array<i32>} : memref<320xi32, #tpu.memory_space<vmem>>, vector<16xi32>,
    %swap3A_358 = arith.constant 240 : index
    %swap3A_359 = tpu.vector_load %arg12[%swap3A_358] {strides = array<i32>} : memref<320xi32, #tpu.memory_space<vmem>>, vector<16xi32>,
    tpu.vector_store %arg12[%swap3A_358], %shift_right_logical3A_344 {strides = array<i32>} : memref<320xi32, #tpu.memory_space<vmem>>, vector<16xi32>,
    %swap3A_360 = arith.constant 240 : index
    %swap3A_361 = tpu.vector_load %arg13[%swap3A_360] {strides = array<i32>} : memref<320xi32, #tpu.memory_space<vmem>>, vector<16xi32>,
    tpu.vector_store %arg13[%swap3A_360], %and3A_347 {strides = array<i32>} : memref<320xi32, #tpu.memory_space<vmem>>, vector<16xi32>,
    %get3A_362 = arith.constant 256 : index
    %get3A_363 = tpu.vector_load %arg9[%get3A_362] {strides = array<i32>} : memref<320xi32, #tpu.memory_space<vmem>>, vector<16xi32>,
    %gather3A_364 = tpu.vector_load_idx %arg8[%get3A_363] : memref<100000xi32, #tpu.memory_space<vmem>>[vector<16xi32>], vector<16xi32>,
    %shift_right_logical3A_365 = arith.constant 4 : i32
    %shift_right_logical3A_366 = vector.broadcast %shift_right_logical3A_365 : i32 to vector<16xi32>
    %shift_right_logical3A_367 = arith.shrui %gather3A_364, %shift_right_logical3A_366 : vector<16xi32>
    %and3A_368 = arith.constant 15 : i32
    %and3A_369 = vector.broadcast %and3A_368 : i32 to vector<16xi32>
    %and3A_370 = arith.andi %gather3A_364, %and3A_369 : vector<16xi32>
    %get3A_371 = arith.constant 256 : index
    %get3A_372 = tpu.vector_load %arg10[%get3A_371] {strides = array<i32>} : memref<320xi32, #tpu.memory_space<vmem>>, vector<16xi32>,
    %eq3A_373 = arith.cmpi eq, %shift_right_logical3A_367, %get3A_372 : vector<16xi32>
    %jit3A_374 = arith.constant 1 : i32
    %jit3A_375 = arith.constant 0 : i32
    %broadcast_in_dim3A_376 = vector.broadcast %jit3A_374 : i32 to vector<16xi32>
    %broadcast_in_dim3A_377 = vector.broadcast %jit3A_375 : i32 to vector<16xi32>
    %select_n3A_378 = arith.select %eq3A_373, %broadcast_in_dim3A_376, %broadcast_in_dim3A_377 : vector<16xi1>, vector<16xi32>
    %swap3A_379 = arith.constant 256 : index
    %swap3A_380 = tpu.vector_load %arg11[%swap3A_379] {strides = array<i32>} : memref<320xi32, #tpu.memory_space<vmem>>, vector<16xi32>,
    tpu.vector_store %arg11[%swap3A_379], %select_n3A_378 {strides = array<i32>} : memref<320xi32, #tpu.memory_space<vmem>>, vector<16xi32>,
    %swap3A_381 = arith.constant 256 : index
    %swap3A_382 = tpu.vector_load %arg12[%swap3A_381] {strides = array<i32>} : memref<320xi32, #tpu.memory_space<vmem>>, vector<16xi32>,
    tpu.vector_store %arg12[%swap3A_381], %shift_right_logical3A_367 {strides = array<i32>} : memref<320xi32, #tpu.memory_space<vmem>>, vector<16xi32>,
    %swap3A_383 = arith.constant 256 : index
    %swap3A_384 = tpu.vector_load %arg13[%swap3A_383] {strides = array<i32>} : memref<320xi32, #tpu.memory_space<vmem>>, vector<16xi32>,
    tpu.vector_store %arg13[%swap3A_383], %and3A_370 {strides = array<i32>} : memref<320xi32, #tpu.memory_space<vmem>>, vector<16xi32>,
    %get3A_385 = arith.constant 272 : index
    %get3A_386 = tpu.vector_load %arg9[%get3A_385] {strides = array<i32>} : memref<320xi32, #tpu.memory_space<vmem>>, vector<16xi32>,
    %gather3A_387 = tpu.vector_load_idx %arg8[%get3A_386] : memref<100000xi32, #tpu.memory_space<vmem>>[vector<16xi32>], vector<16xi32>,
    %shift_right_logical3A_388 = arith.constant 4 : i32
    %shift_right_logical3A_389 = vector.broadcast %shift_right_logical3A_388 : i32 to vector<16xi32>
    %shift_right_logical3A_390 = arith.shrui %gather3A_387, %shift_right_logical3A_389 : vector<16xi32>
    %and3A_391 = arith.constant 15 : i32
    %and3A_392 = vector.broadcast %and3A_391 : i32 to vector<16xi32>
    %and3A_393 = arith.andi %gather3A_387, %and3A_392 : vector<16xi32>
    %get3A_394 = arith.constant 272 : index
    %get3A_395 = tpu.vector_load %arg10[%get3A_394] {strides = array<i32>} : memref<320xi32, #tpu.memory_space<vmem>>, vector<16xi32>,
    %eq3A_396 = arith.cmpi eq, %shift_right_logical3A_390, %get3A_395 : vector<16xi32>
    %jit3A_397 = arith.constant 1 : i32
    %jit3A_398 = arith.constant 0 : i32
    %broadcast_in_dim3A_399 = vector.broadcast %jit3A_397 : i32 to vector<16xi32>
    %broadcast_in_dim3A_400 = vector.broadcast %jit3A_398 : i32 to vector<16xi32>
    %select_n3A_401 = arith.select %eq3A_396, %broadcast_in_dim3A_399, %broadcast_in_dim3A_400 : vector<16xi1>, vector<16xi32>
    %swap3A_402 = arith.constant 272 : index
    %swap3A_403 = tpu.vector_load %arg11[%swap3A_402] {strides = array<i32>} : memref<320xi32, #tpu.memory_space<vmem>>, vector<16xi32>,
    tpu.vector_store %arg11[%swap3A_402], %select_n3A_401 {strides = array<i32>} : memref<320xi32, #tpu.memory_space<vmem>>, vector<16xi32>,
    %swap3A_404 = arith.constant 272 : index
    %swap3A_405 = tpu.vector_load %arg12[%swap3A_404] {strides = array<i32>} : memref<320xi32, #tpu.memory_space<vmem>>, vector<16xi32>,
    tpu.vector_store %arg12[%swap3A_404], %shift_right_logical3A_390 {strides = array<i32>} : memref<320xi32, #tpu.memory_space<vmem>>, vector<16xi32>,
    %swap3A_406 = arith.constant 272 : index
    %swap3A_407 = tpu.vector_load %arg13[%swap3A_406] {strides = array<i32>} : memref<320xi32, #tpu.memory_space<vmem>>, vector<16xi32>,
    tpu.vector_store %arg13[%swap3A_406], %and3A_393 {strides = array<i32>} : memref<320xi32, #tpu.memory_space<vmem>>, vector<16xi32>,
    %get3A_408 = arith.constant 288 : index
    %get3A_409 = tpu.vector_load %arg9[%get3A_408] {strides = array<i32>} : memref<320xi32, #tpu.memory_space<vmem>>, vector<16xi32>,
    %gather3A_410 = tpu.vector_load_idx %arg8[%get3A_409] : memref<100000xi32, #tpu.memory_space<vmem>>[vector<16xi32>], vector<16xi32>,
    %shift_right_logical3A_411 = arith.constant 4 : i32
    %shift_right_logical3A_412 = vector.broadcast %shift_right_logical3A_411 : i32 to vector<16xi32>
    %shift_right_logical3A_413 = arith.shrui %gather3A_410, %shift_right_logical3A_412 : vector<16xi32>
    %and3A_414 = arith.constant 15 : i32
    %and3A_415 = vector.broadcast %and3A_414 : i32 to vector<16xi32>
    %and3A_416 = arith.andi %gather3A_410, %and3A_415 : vector<16xi32>
    %get3A_417 = arith.constant 288 : index
    %get3A_418 = tpu.vector_load %arg10[%get3A_417] {strides = array<i32>} : memref<320xi32, #tpu.memory_space<vmem>>, vector<16xi32>,
    %eq3A_419 = arith.cmpi eq, %shift_right_logical3A_413, %get3A_418 : vector<16xi32>
    %jit3A_420 = arith.constant 1 : i32
    %jit3A_421 = arith.constant 0 : i32
    %broadcast_in_dim3A_422 = vector.broadcast %jit3A_420 : i32 to vector<16xi32>
    %broadcast_in_dim3A_423 = vector.broadcast %jit3A_421 : i32 to vector<16xi32>
    %select_n3A_424 = arith.select %eq3A_419, %broadcast_in_dim3A_422, %broadcast_in_dim3A_423 : vector<16xi1>, vector<16xi32>
    %swap3A_425 = arith.constant 288 : index
    %swap3A_426 = tpu.vector_load %arg11[%swap3A_425] {strides = array<i32>} : memref<320xi32, #tpu.memory_space<vmem>>, vector<16xi32>,
    tpu.vector_store %arg11[%swap3A_425], %select_n3A_424 {strides = array<i32>} : memref<320xi32, #tpu.memory_space<vmem>>, vector<16xi32>,
    %swap3A_427 = arith.constant 288 : index
    %swap3A_428 = tpu.vector_load %arg12[%swap3A_427] {strides = array<i32>} : memref<320xi32, #tpu.memory_space<vmem>>, vector<16xi32>,
    tpu.vector_store %arg12[%swap3A_427], %shift_right_logical3A_413 {strides = array<i32>} : memref<320xi32, #tpu.memory_space<vmem>>, vector<16xi32>,
    %swap3A_429 = arith.constant 288 : index
    %swap3A_430 = tpu.vector_load %arg13[%swap3A_429] {strides = array<i32>} : memref<320xi32, #tpu.memory_space<vmem>>, vector<16xi32>,
    tpu.vector_store %arg13[%swap3A_429], %and3A_416 {strides = array<i32>} : memref<320xi32, #tpu.memory_space<vmem>>, vector<16xi32>,
    %get3A_431 = arith.constant 304 : index
    %get3A_432 = tpu.vector_load %arg9[%get3A_431] {strides = array<i32>} : memref<320xi32, #tpu.memory_space<vmem>>, vector<16xi32>,
    %gather3A_433 = tpu.vector_load_idx %arg8[%get3A_432] : memref<100000xi32, #tpu.memory_space<vmem>>[vector<16xi32>], vector<16xi32>,
    %shift_right_logical3A_434 = arith.constant 4 : i32
    %shift_right_logical3A_435 = vector.broadcast %shift_right_logical3A_434 : i32 to vector<16xi32>
    %shift_right_logical3A_436 = arith.shrui %gather3A_433, %shift_right_logical3A_435 : vector<16xi32>
    %and3A_437 = arith.constant 15 : i32
    %and3A_438 = vector.broadcast %and3A_437 : i32 to vector<16xi32>
    %and3A_439 = arith.andi %gather3A_433, %and3A_438 : vector<16xi32>
    %get3A_440 = arith.constant 304 : index
    %get3A_441 = tpu.vector_load %arg10[%get3A_440] {strides = array<i32>} : memref<320xi32, #tpu.memory_space<vmem>>, vector<16xi32>,
    %eq3A_442 = arith.cmpi eq, %shift_right_logical3A_436, %get3A_441 : vector<16xi32>
    %jit3A_443 = arith.constant 1 : i32
    %jit3A_444 = arith.constant 0 : i32
    %broadcast_in_dim3A_445 = vector.broadcast %jit3A_443 : i32 to vector<16xi32>
    %broadcast_in_dim3A_446 = vector.broadcast %jit3A_444 : i32 to vector<16xi32>
    %select_n3A_447 = arith.select %eq3A_442, %broadcast_in_dim3A_445, %broadcast_in_dim3A_446 : vector<16xi1>, vector<16xi32>
    %swap3A_448 = arith.constant 304 : index
    %swap3A_449 = tpu.vector_load %arg11[%swap3A_448] {strides = array<i32>} : memref<320xi32, #tpu.memory_space<vmem>>, vector<16xi32>,
    tpu.vector_store %arg11[%swap3A_448], %select_n3A_447 {strides = array<i32>} : memref<320xi32, #tpu.memory_space<vmem>>, vector<16xi32>,
    %swap3A_450 = arith.constant 304 : index
    %swap3A_451 = tpu.vector_load %arg12[%swap3A_450] {strides = array<i32>} : memref<320xi32, #tpu.memory_space<vmem>>, vector<16xi32>,
    tpu.vector_store %arg12[%swap3A_450], %shift_right_logical3A_436 {strides = array<i32>} : memref<320xi32, #tpu.memory_space<vmem>>, vector<16xi32>,
    %swap3A_452 = arith.constant 304 : index
    %swap3A_453 = tpu.vector_load %arg13[%swap3A_452] {strides = array<i32>} : memref<320xi32, #tpu.memory_space<vmem>>, vector<16xi32>,
    tpu.vector_store %arg13[%swap3A_452], %and3A_439 {strides = array<i32>} : memref<320xi32, #tpu.memory_space<vmem>>, vector<16xi32>,
    "tpu.region"() ({
      %run_scoped3A = tpu.sem_alloc : memref<!tpu.dma_semaphore, #tpu.memory_space<semaphore_mem>>
      %dma_start3A = tpu.memref_slice %arg5[%mul3A_2] : memref<10240xi32, #tpu.memory_space<hbm>> -> memref<320xi32, #tpu.memory_space<hbm>>
      %dma_start3A_454 = tpu.memref_slice %arg5[%mul3A_2] : memref<10240xi32, #tpu.memory_space<hbm>> -> memref<320xi32, #tpu.memory_space<hbm>>
      tpu.enqueue_dma source(%arg11 : memref<320xi32, #tpu.memory_space<vmem>>) target(%dma_start3A_454 : memref<320xi32, #tpu.memory_space<hbm>>) target_semaphore(%run_scoped3A : memref<!tpu.dma_semaphore, #tpu.memory_space<semaphore_mem>>)
      %dma_wait3A = tpu.memref_slice %arg5[%mul3A_2] : memref<10240xi32, #tpu.memory_space<hbm>> -> memref<320xi32, #tpu.memory_space<hbm>>
      %dma_wait3A_455 = tpu.memref_slice %arg5[%mul3A_2] : memref<10240xi32, #tpu.memory_space<hbm>> -> memref<320xi32, #tpu.memory_space<hbm>>
      tpu.wait_dma2 semaphore(%run_scoped3A : memref<!tpu.dma_semaphore, #tpu.memory_space<semaphore_mem>>) src(%arg11 : memref<320xi32, #tpu.memory_space<vmem>>) dst(%dma_wait3A_455 : memref<320xi32, #tpu.memory_space<hbm>>)
      tpu.yield
    }) : () -> ()
    "tpu.region"() ({
      %run_scoped3A = tpu.sem_alloc : memref<!tpu.dma_semaphore, #tpu.memory_space<semaphore_mem>>
      %dma_start3A = tpu.memref_slice %arg6[%mul3A_2] : memref<10240xi32, #tpu.memory_space<hbm>> -> memref<320xi32, #tpu.memory_space<hbm>>
      %dma_start3A_454 = tpu.memref_slice %arg6[%mul3A_2] : memref<10240xi32, #tpu.memory_space<hbm>> -> memref<320xi32, #tpu.memory_space<hbm>>
      tpu.enqueue_dma source(%arg12 : memref<320xi32, #tpu.memory_space<vmem>>) target(%dma_start3A_454 : memref<320xi32, #tpu.memory_space<hbm>>) target_semaphore(%run_scoped3A : memref<!tpu.dma_semaphore, #tpu.memory_space<semaphore_mem>>)
      %dma_wait3A = tpu.memref_slice %arg6[%mul3A_2] : memref<10240xi32, #tpu.memory_space<hbm>> -> memref<320xi32, #tpu.memory_space<hbm>>
      %dma_wait3A_455 = tpu.memref_slice %arg6[%mul3A_2] : memref<10240xi32, #tpu.memory_space<hbm>> -> memref<320xi32, #tpu.memory_space<hbm>>
      tpu.wait_dma2 semaphore(%run_scoped3A : memref<!tpu.dma_semaphore, #tpu.memory_space<semaphore_mem>>) src(%arg12 : memref<320xi32, #tpu.memory_space<vmem>>) dst(%dma_wait3A_455 : memref<320xi32, #tpu.memory_space<hbm>>)
      tpu.yield
    }) : () -> ()
    "tpu.region"() ({
      %run_scoped3A = tpu.sem_alloc : memref<!tpu.dma_semaphore, #tpu.memory_space<semaphore_mem>>
      %dma_start3A = tpu.memref_slice %arg7[%mul3A_2] : memref<10240xi32, #tpu.memory_space<hbm>> -> memref<320xi32, #tpu.memory_space<hbm>>
      %dma_start3A_454 = tpu.memref_slice %arg7[%mul3A_2] : memref<10240xi32, #tpu.memory_space<hbm>> -> memref<320xi32, #tpu.memory_space<hbm>>
      tpu.enqueue_dma source(%arg13 : memref<320xi32, #tpu.memory_space<vmem>>) target(%dma_start3A_454 : memref<320xi32, #tpu.memory_space<hbm>>) target_semaphore(%run_scoped3A : memref<!tpu.dma_semaphore, #tpu.memory_space<semaphore_mem>>)
      %dma_wait3A = tpu.memref_slice %arg7[%mul3A_2] : memref<10240xi32, #tpu.memory_space<hbm>> -> memref<320xi32, #tpu.memory_space<hbm>>
      %dma_wait3A_455 = tpu.memref_slice %arg7[%mul3A_2] : memref<10240xi32, #tpu.memory_space<hbm>> -> memref<320xi32, #tpu.memory_space<hbm>>
      tpu.wait_dma2 semaphore(%run_scoped3A : memref<!tpu.dma_semaphore, #tpu.memory_space<semaphore_mem>>) src(%arg13 : memref<320xi32, #tpu.memory_space<vmem>>) dst(%dma_wait3A_455 : memref<320xi32, #tpu.memory_space<hbm>>)
      tpu.yield
    }) : () -> ()
    return
  }
}

module attributes {stable_mosaic.version = 14 : i64} {
  func.func @_matcher_body(%arg0: i32, %arg1: memref<1024x256xf32, #tpu.memory_space<vmem>>, %arg2: memref<1024x1xf32, #tpu.memory_space<vmem>>, %arg3: memref<2048x256xf32, #tpu.memory_space<vmem>>, %arg4: memref<2048x1xf32, #tpu.memory_space<vmem>>, %arg5: memref<1x2048xi32, #tpu.memory_space<vmem>>, %arg6: memref<1024x1xi32, #tpu.memory_space<vmem>>, %arg7: memref<1024x10xf32, #tpu.memory_space<vmem>>, %arg8: memref<1024x10xi32, #tpu.memory_space<vmem>>, %arg9: memref<1024x256xf32, #tpu.memory_space<vmem>>, %arg10: memref<1024x2048xf32, #tpu.memory_space<vmem>>, %arg11: memref<1024x16xf32, #tpu.memory_space<vmem>>, %arg12: memref<1024x16xi32, #tpu.memory_space<vmem>>) attributes {dimension_semantics = [#tpu.dimension_semantics<arbitrary>], iteration_bounds = array<i64: 49>, scalar_prefetch = 0 : i64, scratch_operands = 4 : i64, tpu.core_type = #tpu.core_type<tc>, window_params = [{pipeline_mode = #tpu.pipeline_mode<synchronous>, transform_indices = @transform_0, window_bounds = array<i64: 1024, 256>}, {pipeline_mode = #tpu.pipeline_mode<synchronous>, transform_indices = @transform_1, window_bounds = array<i64: 1024, 1>}, {transform_indices = @transform_2, window_bounds = array<i64: 2048, 256>}, {transform_indices = @transform_3, window_bounds = array<i64: 2048, 1>}, {transform_indices = @transform_4, window_bounds = array<i64: 1, 2048>}, {pipeline_mode = #tpu.pipeline_mode<synchronous>, transform_indices = @transform_5, window_bounds = array<i64: 1024, 1>}, {pipeline_mode = #tpu.pipeline_mode<synchronous>, transform_indices = @transform_6, window_bounds = array<i64: 1024, 10>}, {pipeline_mode = #tpu.pipeline_mode<synchronous>, transform_indices = @transform_7, window_bounds = array<i64: 1024, 10>}]} {
    %eq3A = arith.constant 0 : i32
    %eq3A_0 = arith.cmpi eq, %arg0, %eq3A : i32
    %convert_element_type3A = arith.extui %eq3A_0 : i1 to i32
    %cond3A = arith.constant 0 : i32
    %cond3A_1 = arith.cmpi ne, %convert_element_type3A, %cond3A : i32
    scf.if %cond3A_1 {
      %get3A_54 = arith.constant 0 : index
      %get3A_55 = arith.constant 0 : index
      %get3A_56 = vector.load %arg1[%get3A_54, %get3A_55] : memref<1024x256xf32, #tpu.memory_space<vmem>>, vector<1024x256xf32>
      %get3A_57 = arith.constant 0 : index
      %get3A_58 = arith.constant 0 : index
      %get3A_59 = vector.load %arg2[%get3A_57, %get3A_58] : memref<1024x1xf32, #tpu.memory_space<vmem>>, vector<1024x1xf32>
      %div3A_60 = vector.broadcast %get3A_59 : vector<1024x1xf32> to vector<1024x256xf32>
      %div3A_61 = arith.divf %get3A_56, %div3A_60 : vector<1024x256xf32>
      %swap3A_62 = arith.constant 0 : index
      %swap3A_63 = arith.constant 0 : index
      %swap3A_64 = vector.load %arg9[%swap3A_62, %swap3A_63] : memref<1024x256xf32, #tpu.memory_space<vmem>>, vector<1024x256xf32>
      tpu.vector_store %arg9[%swap3A_62, %swap3A_63], %div3A_61 {strides = array<i32>} : memref<1024x256xf32, #tpu.memory_space<vmem>>, vector<1024x256xf32>,
      %broadcast_in_dim3A_65 = arith.constant -1.000000e+30 : f32
      %broadcast_in_dim3A_66 = vector.broadcast %broadcast_in_dim3A_65 : f32 to vector<1024x16xf32>
      %swap3A_67 = arith.constant 0 : index
      %swap3A_68 = arith.constant 0 : index
      %swap3A_69 = vector.load %arg11[%swap3A_67, %swap3A_68] : memref<1024x16xf32, #tpu.memory_space<vmem>>, vector<1024x16xf32>
      tpu.vector_store %arg11[%swap3A_67, %swap3A_68], %broadcast_in_dim3A_66 {strides = array<i32>} : memref<1024x16xf32, #tpu.memory_space<vmem>>, vector<1024x16xf32>,
      %broadcast_in_dim3A_70 = arith.constant 1073741824 : i32
      %broadcast_in_dim3A_71 = vector.broadcast %broadcast_in_dim3A_70 : i32 to vector<1024x16xi32>
      %swap3A_72 = arith.constant 0 : index
      %swap3A_73 = arith.constant 0 : index
      %swap3A_74 = vector.load %arg12[%swap3A_72, %swap3A_73] : memref<1024x16xi32, #tpu.memory_space<vmem>>, vector<1024x16xi32>
      tpu.vector_store %arg12[%swap3A_72, %swap3A_73], %broadcast_in_dim3A_71 {strides = array<i32>} : memref<1024x16xi32, #tpu.memory_space<vmem>>, vector<1024x16xi32>,
    } else {
    }
    %get3A = arith.constant 0 : index
    %get3A_2 = arith.constant 0 : index
    %get3A_3 = vector.load %arg3[%get3A, %get3A_2] : memref<2048x256xf32, #tpu.memory_space<vmem>>, vector<2048x256xf32>
    %get3A_4 = arith.constant 0 : index
    %get3A_5 = arith.constant 0 : index
    %get3A_6 = vector.load %arg4[%get3A_4, %get3A_5] : memref<2048x1xf32, #tpu.memory_space<vmem>>, vector<2048x1xf32>
    %div3A = vector.broadcast %get3A_6 : vector<2048x1xf32> to vector<2048x256xf32>
    %div3A_7 = arith.divf %get3A_3, %div3A : vector<2048x256xf32>
    %get3A_8 = arith.constant 0 : index
    %get3A_9 = arith.constant 0 : index
    %get3A_10 = vector.load %arg9[%get3A_8, %get3A_9] : memref<1024x256xf32, #tpu.memory_space<vmem>>, vector<1024x256xf32>
    %dot_general3A = arith.constant dense<0.000000e+00> : vector<1024x2048xf32>
    %dot_general3A_11 = tpu.matmul %get3A_10, %div3A_7, %dot_general3A {dimension_numbers = #tpu.dot_dimension_numbers<[1], [1], [0], [0], [0, 0, 1, 0], [], []>, transpose_lhs_hint = false} : vector<1024x256xf32>, vector<2048x256xf32>, vector<1024x2048xf32> -> vector<1024x2048xf32>
    %get3A_12 = arith.constant 0 : index
    %get3A_13 = arith.constant 0 : index
    %get3A_14 = vector.load %arg6[%get3A_12, %get3A_13] : memref<1024x1xi32, #tpu.memory_space<vmem>>, vector<1024x1xi32>
    %get3A_15 = arith.constant 0 : index
    %get3A_16 = arith.constant 0 : index
    %get3A_17 = vector.load %arg5[%get3A_15, %get3A_16] : memref<1x2048xi32, #tpu.memory_space<vmem>>, vector<1x2048xi32>
    %eq3A_18 = vector.broadcast %get3A_14 : vector<1024x1xi32> to vector<1024x2048xi32>
    %eq3A_19 = vector.broadcast %get3A_17 : vector<1x2048xi32> to vector<1024x2048xi32>
    %eq3A_20 = arith.cmpi eq, %eq3A_18, %eq3A_19 : vector<1024x2048xi32>
    %jit3A = arith.constant -1.000000e+00 : f32
    %broadcast_in_dim3A = vector.broadcast %jit3A : f32 to vector<1024x2048xf32>
    %select_n3A = arith.select %eq3A_20, %broadcast_in_dim3A, %dot_general3A_11 : vector<1024x2048xi1>, vector<1024x2048xf32>
    %swap3A = arith.constant 0 : index
    %swap3A_21 = arith.constant 0 : index
    %swap3A_22 = vector.load %arg10[%swap3A, %swap3A_21] : memref<1024x2048xf32, #tpu.memory_space<vmem>>, vector<1024x2048xf32>
    tpu.vector_store %arg10[%swap3A, %swap3A_21], %select_n3A {strides = array<i32>} : memref<1024x2048xf32, #tpu.memory_space<vmem>>, vector<1024x2048xf32>,
    %eq3A_23 = arith.constant 48 : i32
    %eq3A_24 = arith.cmpi eq, %arg0, %eq3A_23 : i32
    %convert_element_type3A_25 = arith.extui %eq3A_24 : i1 to i32
    %cond3A_26 = arith.constant 0 : i32
    %cond3A_27 = arith.cmpi ne, %convert_element_type3A_25, %cond3A_26 : i32
    scf.if %cond3A_27 {
      %broadcast_in_dim3A_54 = arith.constant -1.000000e+30 : f32
      %broadcast_in_dim3A_55 = vector.broadcast %broadcast_in_dim3A_54 : f32 to vector<1024x352xf32>
      %swap3A_56 = arith.constant 0 : index
      %swap3A_57 = arith.constant 1696 : index
      %swap3A_58 = vector.load %arg10[%swap3A_56, %swap3A_57] : memref<1024x2048xf32, #tpu.memory_space<vmem>>, vector<1024x352xf32>
      tpu.vector_store %arg10[%swap3A_56, %swap3A_57], %broadcast_in_dim3A_55 {strides = array<i32>} : memref<1024x2048xf32, #tpu.memory_space<vmem>>, vector<1024x352xf32>,
    } else {
    }
    %mul3A = arith.constant 2048 : i32
    %mul3A_28 = arith.muli %arg0, %mul3A : i32
    %iota3A = tpu.iota {dimensions = array<i32: 1>} : vector<1x2048xi32>
    %add3A = vector.broadcast %mul3A_28 : i32 to vector<1x2048xi32>
    %add3A_29 = arith.addi %add3A, %iota3A : vector<1x2048xi32>
    %get3A_30 = arith.constant 0 : index
    %get3A_31 = arith.constant 0 : index
    %get3A_32 = vector.load %arg10[%get3A_30, %get3A_31] : memref<1024x2048xf32, #tpu.memory_space<vmem>>, vector<1024x2048xf32>
    %reduce_max3A = arith.constant dense<0xFF800000> : vector<1024xf32>
    %reduce_max3A_33 = vector.multi_reduction <maximumf>, %get3A_32, %reduce_max3A [1] : vector<1024x2048xf32> to vector<1024xf32>
    %broadcast_in_dim3A_34 = vector.shape_cast %reduce_max3A_33 : vector<1024xf32> to vector<1024x1xf32>
    %get3A_35 = arith.constant 0 : index
    %get3A_36 = arith.constant 9 : index
    %get3A_37 = vector.load %arg11[%get3A_35, %get3A_36] : memref<1024x16xf32, #tpu.memory_space<vmem>>, vector<1024x1xf32>
    %gt3A = arith.cmpf ogt, %broadcast_in_dim3A_34, %get3A_37 : vector<1024x1xf32>
    %reduce_or3A = arith.constant 1.000000e+00 : f32
    %reduce_or3A_38 = arith.constant 0.000000e+00 : f32
    %reduce_or3A_39 = vector.broadcast %reduce_or3A : f32 to vector<1024x1xf32>
    %reduce_or3A_40 = vector.broadcast %reduce_or3A_38 : f32 to vector<1024x1xf32>
    %reduce_or3A_41 = arith.select %gt3A, %reduce_or3A_39, %reduce_or3A_40 : vector<1024x1xi1>, vector<1024x1xf32>
    %reduce_or3A_42 = vector.shape_cast %reduce_or3A_41 : vector<1024x1xf32> to vector<1x1024x1xf32>
    %reduce_or3A_43 = arith.constant dense<0xFF800000> : vector<1xf32>
    %reduce_or3A_44 = vector.multi_reduction <maximumf>, %reduce_or3A_42, %reduce_or3A_43 [1, 2] : vector<1x1024x1xf32> to vector<1xf32>
    %reduce_or3A_45 = vector.shape_cast %reduce_or3A_44 : vector<1xf32> to vector<1x1x1xf32>
    %reduce_or3A_46 = vector.extract %reduce_or3A_45[0, 0, 0] : f32 from vector<1x1x1xf32>
    %reduce_or3A_47 = arith.constant 0.000000e+00 : f32
    %reduce_or3A_48 = arith.cmpf ogt, %reduce_or3A_46, %reduce_or3A_47 : f32
    %while3A:2 = scf.while (%while3A_54 = %broadcast_in_dim3A_34, %while3A_55 = %reduce_or3A_48) : (vector<1024x1xf32>, i1) -> (vector<1024x1xf32>, i1) {
      scf.condition(%while3A_55) %while3A_54, %while3A_55 : vector<1024x1xf32>, i1
    } do {
    ^bb0(%while3A_54: vector<1024x1xf32>, %while3A_55: i1):
      %get3A_56 = arith.constant 0 : index
      %get3A_57 = arith.constant 0 : index
      %get3A_58 = vector.load %arg10[%get3A_56, %get3A_57] : memref<1024x2048xf32, #tpu.memory_space<vmem>>, vector<1024x2048xf32>
      %eq3A_59 = vector.broadcast %while3A_54 : vector<1024x1xf32> to vector<1024x2048xf32>
      %eq3A_60 = arith.cmpf oeq, %get3A_58, %eq3A_59 : vector<1024x2048xf32>
      %jit3A_61 = arith.constant 1073741824 : i32
      %broadcast_in_dim3A_62 = vector.shape_cast %add3A_29 : vector<1x2048xi32> to vector<1x2048xi32>
      %broadcast_in_dim3A_63 = vector.broadcast %broadcast_in_dim3A_62 : vector<1x2048xi32> to vector<1024x2048xi32>
      %broadcast_in_dim3A_64 = vector.broadcast %jit3A_61 : i32 to vector<1024x2048xi32>
      %select_n3A_65 = arith.select %eq3A_60, %broadcast_in_dim3A_63, %broadcast_in_dim3A_64 : vector<1024x2048xi1>, vector<1024x2048xi32>
      %reduce_min3A = arith.constant dense<2147483647> : vector<1024xi32>
      %reduce_min3A_66 = vector.multi_reduction <minsi>, %select_n3A_65, %reduce_min3A [1] : vector<1024x2048xi32> to vector<1024xi32>
      %broadcast_in_dim3A_67 = vector.shape_cast %reduce_min3A_66 : vector<1024xi32> to vector<1024x1xi32>
      %get3A_68 = arith.constant 0 : index
      %get3A_69 = arith.constant 0 : index
      %get3A_70 = vector.load %arg11[%get3A_68, %get3A_69] : memref<1024x16xf32, #tpu.memory_space<vmem>>, vector<1024x16xf32>
      %get3A_71 = arith.constant 0 : index
      %get3A_72 = arith.constant 0 : index
      %get3A_73 = vector.load %arg12[%get3A_71, %get3A_72] : memref<1024x16xi32, #tpu.memory_space<vmem>>, vector<1024x16xi32>
      %broadcast_in_dim3A_74 = arith.constant 1.000000e+30 : f32
      %broadcast_in_dim3A_75 = vector.broadcast %broadcast_in_dim3A_74 : f32 to vector<1024x1xf32>
      %slice3A = vector.extract_strided_slice %get3A_70 {offsets = [0, 0], sizes = [1024, 15], strides = [1, 1]} : vector<1024x16xf32> to vector<1024x15xf32>
      %concatenate3A = tpu.concatenate %broadcast_in_dim3A_75, %slice3A in 1 : vector<1024x1xf32>, vector<1024x15xf32> -> vector<1024x16xf32>
      %slice3A_76 = vector.extract_strided_slice %get3A_73 {offsets = [0, 0], sizes = [1024, 1], strides = [1, 1]} : vector<1024x16xi32> to vector<1024x1xi32>
      %slice3A_77 = vector.extract_strided_slice %get3A_73 {offsets = [0, 0], sizes = [1024, 15], strides = [1, 1]} : vector<1024x16xi32> to vector<1024x15xi32>
      %concatenate3A_78 = tpu.concatenate %slice3A_76, %slice3A_77 in 1 : vector<1024x1xi32>, vector<1024x15xi32> -> vector<1024x16xi32>
      %ge3A = vector.broadcast %while3A_54 : vector<1024x1xf32> to vector<1024x16xf32>
      %ge3A_79 = arith.cmpf oge, %get3A_70, %ge3A : vector<1024x16xf32>
      %ge3A_80 = vector.broadcast %while3A_54 : vector<1024x1xf32> to vector<1024x16xf32>
      %ge3A_81 = arith.cmpf oge, %concatenate3A, %ge3A_80 : vector<1024x16xf32>
      %broadcast_in_dim3A_82 = vector.shape_cast %while3A_54 : vector<1024x1xf32> to vector<1024x1xf32>
      %broadcast_in_dim3A_83 = vector.broadcast %broadcast_in_dim3A_82 : vector<1024x1xf32> to vector<1024x16xf32>
      %select_n3A_84 = arith.select %ge3A_81, %broadcast_in_dim3A_83, %concatenate3A : vector<1024x16xi1>, vector<1024x16xf32>
      %select_n3A_85 = arith.select %ge3A_79, %get3A_70, %select_n3A_84 : vector<1024x16xi1>, vector<1024x16xf32>
      %swap3A_86 = arith.constant 0 : index
      %swap3A_87 = arith.constant 0 : index
      %swap3A_88 = vector.load %arg11[%swap3A_86, %swap3A_87] : memref<1024x16xf32, #tpu.memory_space<vmem>>, vector<1024x16xf32>
      tpu.vector_store %arg11[%swap3A_86, %swap3A_87], %select_n3A_85 {strides = array<i32>} : memref<1024x16xf32, #tpu.memory_space<vmem>>, vector<1024x16xf32>,
      %broadcast_in_dim3A_89 = vector.shape_cast %broadcast_in_dim3A_67 : vector<1024x1xi32> to vector<1024x1xi32>
      %broadcast_in_dim3A_90 = vector.broadcast %broadcast_in_dim3A_89 : vector<1024x1xi32> to vector<1024x16xi32>
      %select_n3A_91 = arith.select %ge3A_81, %broadcast_in_dim3A_90, %concatenate3A_78 : vector<1024x16xi1>, vector<1024x16xi32>
      %select_n3A_92 = arith.select %ge3A_79, %get3A_73, %select_n3A_91 : vector<1024x16xi1>, vector<1024x16xi32>
      %swap3A_93 = arith.constant 0 : index
      %swap3A_94 = arith.constant 0 : index
      %swap3A_95 = vector.load %arg12[%swap3A_93, %swap3A_94] : memref<1024x16xi32, #tpu.memory_space<vmem>>, vector<1024x16xi32>
      tpu.vector_store %arg12[%swap3A_93, %swap3A_94], %select_n3A_92 {strides = array<i32>} : memref<1024x16xi32, #tpu.memory_space<vmem>>, vector<1024x16xi32>,
      %eq3A_96 = vector.broadcast %add3A_29 : vector<1x2048xi32> to vector<1024x2048xi32>
      %eq3A_97 = vector.broadcast %broadcast_in_dim3A_67 : vector<1024x1xi32> to vector<1024x2048xi32>
      %eq3A_98 = arith.cmpi eq, %eq3A_96, %eq3A_97 : vector<1024x2048xi32>
      %jit3A_99 = arith.constant -1.000000e+30 : f32
      %broadcast_in_dim3A_100 = vector.broadcast %jit3A_99 : f32 to vector<1024x2048xf32>
      %select_n3A_101 = arith.select %eq3A_98, %broadcast_in_dim3A_100, %get3A_58 : vector<1024x2048xi1>, vector<1024x2048xf32>
      %swap3A_102 = arith.constant 0 : index
      %swap3A_103 = arith.constant 0 : index
      %swap3A_104 = vector.load %arg10[%swap3A_102, %swap3A_103] : memref<1024x2048xf32, #tpu.memory_space<vmem>>, vector<1024x2048xf32>
      tpu.vector_store %arg10[%swap3A_102, %swap3A_103], %select_n3A_101 {strides = array<i32>} : memref<1024x2048xf32, #tpu.memory_space<vmem>>, vector<1024x2048xf32>,
      %reduce_max3A_105 = arith.constant dense<0xFF800000> : vector<1024xf32>
      %reduce_max3A_106 = vector.multi_reduction <maximumf>, %select_n3A_101, %reduce_max3A_105 [1] : vector<1024x2048xf32> to vector<1024xf32>
      %broadcast_in_dim3A_107 = vector.shape_cast %reduce_max3A_106 : vector<1024xf32> to vector<1024x1xf32>
      %get3A_108 = arith.constant 0 : index
      %get3A_109 = arith.constant 9 : index
      %get3A_110 = vector.load %arg11[%get3A_108, %get3A_109] : memref<1024x16xf32, #tpu.memory_space<vmem>>, vector<1024x1xf32>
      %gt3A_111 = arith.cmpf ogt, %broadcast_in_dim3A_107, %get3A_110 : vector<1024x1xf32>
      %reduce_or3A_112 = arith.constant 1.000000e+00 : f32
      %reduce_or3A_113 = arith.constant 0.000000e+00 : f32
      %reduce_or3A_114 = vector.broadcast %reduce_or3A_112 : f32 to vector<1024x1xf32>
      %reduce_or3A_115 = vector.broadcast %reduce_or3A_113 : f32 to vector<1024x1xf32>
      %reduce_or3A_116 = arith.select %gt3A_111, %reduce_or3A_114, %reduce_or3A_115 : vector<1024x1xi1>, vector<1024x1xf32>
      %reduce_or3A_117 = vector.shape_cast %reduce_or3A_116 : vector<1024x1xf32> to vector<1x1024x1xf32>
      %reduce_or3A_118 = arith.constant dense<0xFF800000> : vector<1xf32>
      %reduce_or3A_119 = vector.multi_reduction <maximumf>, %reduce_or3A_117, %reduce_or3A_118 [1, 2] : vector<1x1024x1xf32> to vector<1xf32>
      %reduce_or3A_120 = vector.shape_cast %reduce_or3A_119 : vector<1xf32> to vector<1x1x1xf32>
      %reduce_or3A_121 = vector.extract %reduce_or3A_120[0, 0, 0] : f32 from vector<1x1x1xf32>
      %reduce_or3A_122 = arith.constant 0.000000e+00 : f32
      %reduce_or3A_123 = arith.cmpf ogt, %reduce_or3A_121, %reduce_or3A_122 : f32
      scf.yield %broadcast_in_dim3A_107, %reduce_or3A_123 : vector<1024x1xf32>, i1
    }
    %eq3A_49 = arith.constant 48 : i32
    %eq3A_50 = arith.cmpi eq, %arg0, %eq3A_49 : i32
    %convert_element_type3A_51 = arith.extui %eq3A_50 : i1 to i32
    %cond3A_52 = arith.constant 0 : i32
    %cond3A_53 = arith.cmpi ne, %convert_element_type3A_51, %cond3A_52 : i32
    scf.if %cond3A_53 {
      %get3A_54 = arith.constant 0 : index
      %get3A_55 = arith.constant 0 : index
      %get3A_56 = vector.load %arg11[%get3A_54, %get3A_55] : memref<1024x16xf32, #tpu.memory_space<vmem>>, vector<1024x10xf32>
      %swap3A_57 = arith.constant 0 : index
      %swap3A_58 = arith.constant 0 : index
      %swap3A_59 = vector.load %arg7[%swap3A_57, %swap3A_58] : memref<1024x10xf32, #tpu.memory_space<vmem>>, vector<1024x10xf32>
      tpu.vector_store %arg7[%swap3A_57, %swap3A_58], %get3A_56 {strides = array<i32>} : memref<1024x10xf32, #tpu.memory_space<vmem>>, vector<1024x10xf32>,
      %get3A_60 = arith.constant 0 : index
      %get3A_61 = arith.constant 0 : index
      %get3A_62 = vector.load %arg12[%get3A_60, %get3A_61] : memref<1024x16xi32, #tpu.memory_space<vmem>>, vector<1024x10xi32>
      %swap3A_63 = arith.constant 0 : index
      %swap3A_64 = arith.constant 0 : index
      %swap3A_65 = vector.load %arg8[%swap3A_63, %swap3A_64] : memref<1024x10xi32, #tpu.memory_space<vmem>>, vector<1024x10xi32>
      tpu.vector_store %arg8[%swap3A_63, %swap3A_64], %get3A_62 {strides = array<i32>} : memref<1024x10xi32, #tpu.memory_space<vmem>>, vector<1024x10xi32>,
    } else {
    }
    return
  }
  func.func @transform_0(%arg0: i32) -> (i32, i32) {
    %c0_i32 = arith.constant 0 : i32
    %c0_i32_0 = arith.constant 0 : i32
    %c0_i32_1 = arith.constant 0 : i32
    return %c0_i32, %c0_i32_0 : i32, i32
  }
  func.func @transform_1(%arg0: i32) -> (i32, i32) {
    %c0_i32 = arith.constant 0 : i32
    %c0_i32_0 = arith.constant 0 : i32
    %c0_i32_1 = arith.constant 0 : i32
    return %c0_i32, %c0_i32_0 : i32, i32
  }
  func.func @transform_2(%arg0: i32) -> (i32, i32) {
    %c0_i32 = arith.constant 0 : i32
    %c0_i32_0 = arith.constant 0 : i32
    return %arg0, %c0_i32 : i32, i32
  }
  func.func @transform_3(%arg0: i32) -> (i32, i32) {
    %c0_i32 = arith.constant 0 : i32
    %c0_i32_0 = arith.constant 0 : i32
    return %arg0, %c0_i32 : i32, i32
  }
  func.func @transform_4(%arg0: i32) -> (i32, i32) {
    %c0_i32 = arith.constant 0 : i32
    %c0_i32_0 = arith.constant 0 : i32
    return %c0_i32, %arg0 : i32, i32
  }
  func.func @transform_5(%arg0: i32) -> (i32, i32) {
    %c0_i32 = arith.constant 0 : i32
    %c0_i32_0 = arith.constant 0 : i32
    %c0_i32_1 = arith.constant 0 : i32
    return %c0_i32, %c0_i32_0 : i32, i32
  }
  func.func @transform_6(%arg0: i32) -> (i32, i32) {
    %c0_i32 = arith.constant 0 : i32
    %c0_i32_0 = arith.constant 0 : i32
    %c0_i32_1 = arith.constant 0 : i32
    return %c0_i32, %c0_i32_0 : i32, i32
  }
  func.func @transform_7(%arg0: i32) -> (i32, i32) {
    %c0_i32 = arith.constant 0 : i32
    %c0_i32_0 = arith.constant 0 : i32
    %c0_i32_1 = arith.constant 0 : i32
    return %c0_i32, %c0_i32_0 : i32, i32
  }
}

</mosaic_0001>

<sc_bundles>
// kernel: kernel.4.cloned.1.call-start
scs
__scs_entry_jumppad:
0x0: {  	(pc) =	sbr.rel $0x88, $3  }
0x1: {  	(tag) =	ssettag $0x0;
	lr =	simm.s32 $0x1  }
0x2: {  	[smem:$0x3F9B] =	sst lr;
	_ =	strace $0xD0000000  }
0x3: {  	_ = 	snop  }
0x4: {  	_ = 	snop  }
0x5: {  	_ = 	snop  }
0x6: {  	_ = 	snop  }
0x7: {  	_ = 	snop  }
__scs_overlays_trampoline_lowered:
0x8: {  	[smem:$0x3FAA] =	sst s0  }
0x9: {  	[smem:$0x3FAB] =	sst s1  }
0xa: {  	[smem:$0x3FAC] =	sst s2  }
0xb: {  	[smem:$0x3FAD] =	sst s3  }
0xc: {  	[smem:$0x3FAE] =	sst s4  }
0xd: {  	[smem:$0x3FAF] =	sst s5  }
0xe: {  	[smem:$0x3FB0] =	sst s6  }
0xf: {  	[smem:$0x3FB1] =	sst s7  }
0x10: {  	[smem:$0x3FB2] =	sst s8  }
0x11: {  	[smem:$0x3FB3] =	sst s9;
	s0 =	simm.s32 @!p0 $0x0  }
0x12: {  	s1 =	sld [smem:$0x3F99];
	s0 =	simm.s32 @p0 $0x1  }
0x13: {  	[smem:$0x3FB4] =	sst s0;
	s0 =	simm.s32 @!p1 $0x0  }
0x14: {  	s2 =	sld [smem:$0x3F98];
	s0 =	simm.s32 @p1 $0x1  }
0x15: {  	[smem:$0x3FB5] =	sst s0;
	s0 =	simm.s32 @!p2 $0x0  }
0x16: {  	s3 =	sld [smem:$0x3FDB];
	s0 =	simm.s32 @p2 $0x1  }
0x17: {  	s4 =	simm.s32 $0x1BF5;
	[smem:$0x3FB7] =	sst s0  }
0x18: {  	s0 =	sld [smem:$0x3F9A];
	_ =	swait.ge [sflag:s4], $0x0  }
0x19: {  	s7 =	sld [smem:$0x3F9B]  }
0x1a: {  	s8 =	sadd.s32 $0xFFFFE003, lr  }
0x1b: {  	s9 =	sadd.s32 $0xFFFFFEF7, lr;
	s5 =	simm.s32 $0xFFFFFFFF;
	p2 =	slt.u32 s8, $0xFFFFF086  }
0x1c: {  	p1 =	slt.u32 s9, $0xF7A;
	s5 =	simm.s32 @!p2 $0x0  }
0x1d: {  	s5 =	simm.s32 @p1 $0x1;
	p0 =	seq.s32 s7, s2  }
0x1e: {  	s7 =	smul.u32 @!p0 $0xF7A, s2;
	p2 =	seq.s32 @!p0 s5, $0x0  }
0x1f: {  	s9 =	smul.u32 $0xF7A, s1;
	s8 =	simm.s32 @!p0 $0x1BF5;
	p2 =	por !p2, p0  }
0x20: {  	[sflag:s8] =	ssyncset.s32 @!p0 $0xFFFFF086;
	s6 =	sadd.s32 @!p0 s3, s7;
	s7 =	simm.s32 @!p0 $0x108  }
0x21: {  	s3 =	sadd.s32 s3, s9;
	s6 =	sadd.s32 @!p0 $0x88, s6;
	s7 =	simm.s32 @p2 $0x1082  }
0x22: {  	[simem:s7], [sflag:s8] =	dma.local @!p0 [hbm:s6], $0xF7A  }
0x23: {  	s9 =	sor.u32 $0xD0000000, s2;
	s6 =	simm.s32 $0x108;
	_ =	swait.ge @!p0 [sflag:s8], $0x0  }
0x24: {  	s3 =	sadd.s32 $0x88, s3;
	s6 =	simm.s32 @!p1 $0x1082;
	[sflag:s4] =	ssyncset.s32 $0xFFFFF086  }
0x25: {  	[simem:s6], [sflag:s4] =	dma.local [hbm:s3], $0xF7A  }
0x26: {  	[smem:$0x3F9B] =	sst s1;
	(tag) =	ssettag s2;
	_ =	strace s9  }
0x27: {  	s1 =	sld [smem:$0x3FAB]  }
0x28: {  	s2 =	sld [smem:$0x3FAC]  }
0x29: {  	s4 =	sld [smem:$0x3FAE]  }
0x2a: {  	p0 =	seq.s32 s5, $0x0;
	s5 =	sld [smem:$0x3FAF]  }
0x2b: {  	s6 =	sld [smem:$0x3FB0]  }
0x2c: {  	s7 =	sld [smem:$0x3FB1]  }
0x2d: {  	s3 =	simm.s32 $0x108;
	s8 =	sld [smem:$0x3FB2]  }
0x2e: {  	s3 =	simm.s32 @!p0 $0x1082;
	s9 =	sld [smem:$0x3FB3]  }
0x2f: {  	lr =	sadd.s32 s0, s3;
	s0 =	sld [smem:$0x3FAA]  }
0x30: {  	s3 =	sld [smem:$0x3FAD]  }
0x31: {  	[smem:$0x3FB6] =	sst s10  }
0x32: {  	s10 =	sld [smem:$0x3FB4];
	_ =	sdelay $0x3  }
0x33: {  	p0 =	seq.s32 s10, $0x1;
	s10 =	sld [smem:$0x3FB6];
	_ =	sdelay $0x3  }
0x34: {  	[smem:$0x3FB6] =	sst s10  }
0x35: {  	s10 =	sld [smem:$0x3FB5];
	_ =	sdelay $0x3  }
0x36: {  	p1 =	seq.s32 s10, $0x1;
	s10 =	sld [smem:$0x3FB6];
	_ =	sdelay $0x3  }
0x37: {  	[smem:$0x3FB6] =	sst s10  }
0x38: {  	s10 =	sld [smem:$0x3FB7]  }
0x39: {  	_ = 	snop;
	(pc) =	sbr.ind lr, $3  }
0x3a: {  	_ = 	snop  }
0x3b: {  	_ = 	snop  }
0x3c: {  	p2 =	seq.s32 s10, $0x1;
	s10 =	sld [smem:$0x3FB6]  }
0x3d: {  	_ =	shalt  }
0x3e: {  	_ =	shalt  }
0x3f: {  	_ =	shalt  }
0x40: {  	_ =	shalt  }
0x41: {  	_ =	shalt  }
0x42: {  	_ =	shalt  }
0x43: {  	_ =	shalt  }
0x44: {  	_ =	shalt  }
0x45: {  	_ =	shalt  }
0x46: {  	_ =	shalt  }
0x47: {  	_ =	shalt  }
0x48: {  	_ =	shalt  }
0x49: {  	_ =	shalt  }
0x4a: {  	_ =	shalt  }
0x4b: {  	_ =	shalt  }
0x4c: {  	_ =	shalt  }
0x4d: {  	_ =	shalt  }
0x4e: {  	_ =	shalt  }
0x4f: {  	_ =	shalt  }
0x50: {  	_ =	shalt  }
0x51: {  	_ =	shalt  }
0x52: {  	_ =	shalt  }
0x53: {  	_ =	shalt  }
0x54: {  	_ =	shalt  }
0x55: {  	_ =	shalt  }
0x56: {  	_ =	shalt  }
0x57: {  	_ =	shalt  }
0x58: {  	_ =	shalt  }
0x59: {  	_ =	shalt  }
0x5a: {  	_ =	shalt  }
0x5b: {  	_ =	shalt  }
0x5c: {  	_ =	shalt  }
0x5d: {  	_ =	shalt  }
0x5e: {  	_ =	shalt  }
0x5f: {  	_ =	shalt  }
0x60: {  	_ =	shalt  }
0x61: {  	_ =	shalt  }
0x62: {  	_ =	shalt  }
0x63: {  	_ =	shalt  }
0x64: {  	_ =	shalt  }
0x65: {  	_ =	shalt  }
0x66: {  	_ =	shalt  }
0x67: {  	_ =	shalt  }
0x68: {  	_ =	shalt  }
0x69: {  	_ =	shalt  }
0x6a: {  	_ =	shalt  }
0x6b: {  	_ =	shalt  }
0x6c: {  	_ =	shalt  }
0x6d: {  	_ =	shalt  }
0x6e: {  	_ =	shalt  }
0x6f: {  	_ =	shalt  }
0x70: {  	_ =	shalt  }
0x71: {  	_ =	shalt  }
0x72: {  	_ =	shalt  }
0x73: {  	_ =	shalt  }
0x74: {  	_ =	shalt  }
0x75: {  	_ =	shalt  }
0x76: {  	_ =	shalt  }
0x77: {  	_ =	shalt  }
0x78: {  	_ =	shalt  }
0x79: {  	_ =	shalt  }
0x7a: {  	_ =	shalt  }
0x7b: {  	_ =	shalt  }
0x7c: {  	_ =	shalt  }
0x7d: {  	_ =	shalt  }
0x7e: {  	_ =	shalt  }
0x7f: {  	_ =	shalt  }
0x80: {  	_ =	shalt  }
0x81: {  	_ =	shalt  }
0x82: {  	_ =	shalt  }
0x83: {  	_ =	shalt  }
0x84: {  	_ =	shalt  }
0x85: {  	_ =	shalt  }
0x86: {  	_ =	shalt  }
0x87: {  	_ =	shalt  }
.Lfunc_end0:
.L_simem_size_0:
called_computation_lowered:
.L_overlay_start_0:
0x88: {  	s2 =	sld [smem:$0x3FD9]  }
0x89: {  	s3 =	sld [smem:$0x3FFE];
	_ =	sdelay $0x1  }
0x8a: {  	s1 =	srdreg.scid  }
0x8b: {  	s0 =	sand.u32 $0x1, s1  }
0x8c: {  	s14 =	sshll.u32 s0, $0xA;
	s2 =	sadd.s32 s3, s2  }
0x8d: {  	s2 =	sadd.s32 s2, s14  }
0x8e: {  	[smem:$0x3FC2] =	sst s2  }
0x8f: {  	_ = 	snop  }
0x90: {  	s2 =	sld [smem:$0x3FD0];
	_ =	sdelay $0x2  }
0x91: {  	s15 =	simm.s32 $0xA;
	s4 =	simm.s32 $0x10  }
0x92: {  	[smem:s4], [sflag:s15] =	dma.local [hbm:s2], $0x1  }
0x93: {  	_ =	swait.eq [sflag:s15], $0x1  }
0x94: {  	[sflag:s15] =	ssyncset.done $0x0  }
0x95: {  	s16 =	sld [smem:$0x12];
	[sflag:s15] =	ssyncadd.s32 $0xFFFFFFFF  }
0x96: {  	s17 =	sld [smem:$0x13];
	(tm) =	ssettm $0x1  }
0x97: {  	s18 =	sld [smem:$0x3FFB];
	_ =	sdelay $0x3  }
0x98: {  	_ =	strace s18  }
0x99: {  	s4 =	sld [smem:$0x3FFC];
	_ =	sdelay $0x3  }
0x9a: {  	_ =	strace s4  }
0x9b: {  	s4 =	sld [smem:$0x3FFD];
	_ =	sdelay $0x3  }
0x9c: {  	_ =	strace s4  }
0x9d: {  	_ =	strace $0x8FFFFFFF  }
0x9e: {  	s19 =	sld [smem:$0x3FDB];
	_ =	sdelay $0x1  }
0x9f: {  	s5 =	simm.s32 $_scs_section_size  }
0xa0: {  	s6 =	simm.s32 $_size__tile_overlayer_lowered;
	s7 =	simm.s32 $_tile_overlayer_lowered  }
0xa1: {  	s22 =	simm.s32 $0x1BFF;
	s21 =	sshll.u32 s7, $0x1;
	s4 =	sadd.s32 s5, s19  }
0xa2: {  	s8 =	simm.s32 $0x0;
	s20 =	sshll.u32 s6, $0x1;
	s6 =	sadd.s32 s21, s4  }
0xa3: {  	[timem:s8], [sflag:s22] =	dma.local [hbm:s6], s20  }
0xa4: {  	_ =	swait.ge [sflag:s22], s20  }
0xa5: {  	s5 =	ssub.s32 $0x0, s20;
	[sflag:s22] =	ssyncset.done $0x0  }
0xa6: {  	[sflag:s22] =	ssyncadd.s32 s5;
	_ =	sdelay $0x1  }
0xa7: {  	s23 =	simm.s32 $0x1B8B  }
0xa8: {  	_ =	swait.ge [sflag:s23], $0x1  }
0xa9: {  	[sflag:s23] =	ssyncset.done $0x0  }
0xaa: {  	s25 =	simm.s32 $0x1B8E;
	s24 =	sld [smem:$0x3FFE];
	[sflag:s23] =	ssyncadd.s32 $0xFFFFFFFF  }
0xab: {  	s26 =	simm.s32 $execute0_lowered;
	[smem:$0x3FD2] =	sst s25  }
0xac: {  	s6 =	sshll.u32 s26, $0x1;
	_ =	strace $0x80000046;
	[dreg:$0x1] =	wrdreg $0xFFFFFFFF  }
0xad: {  	s28 =	simm.s32 $_size_execute0_lowered;
	s4 =	sadd.s32 s4, s6;
	[dreg:$0x0] =	wrdreg $0x0  }
0xae: {  	s6 =	sshll.u32 s28, $0x1;
	[dreg:$0x2] =	wrdreg s4  }
0xaf: {  	[dreg:$0x3] =	wrdreg s6  }
0xb0: {  	[dreg:$0x4] =	wrdreg $0xC0  }
0xb1: {  	_ =	task [dreg:s8], $0x5FFFF  }
0xb2: {  	[dreg:$0x1] =	wrdreg $0xFFFFFFFF  }
0xb3: {  	[dreg:$0x0] =	wrdreg $0x60  }
0xb4: {  	[dreg:$0x2] =	wrdreg s24  }
0xb5: {  	[dreg:$0x3] =	wrdreg s17  }
0xb6: {  	[dreg:$0x4] =	wrdreg s16  }
0xb7: {  	[dreg:$0x5] =	wrdreg $0x9  }
0xb8: {  	_ =	task.clear_ibuf [dreg:s8], $0x6FFFF;
	_ =	strace $0x90000046  }
0xb9: {  	s29 =	simm.s32 $0x9;
	_ =	strace $0x80000048  }
0xba: {  	_ =	swait.ge [sflag:s29], $0x1  }
0xbb: {  	[sflag:s29] =	ssyncadd.s32 $0xFFFFFFFF  }
0xbc: {  	_ =	strace $0x90000048  }
0xbd: {  	_ =	sfence  }
0xbe: {  	s30 =	sld [smem:$0x0];
	_ =	sdelay $0x2  }
0xbf: {  	s31 =	sshll.u32 s1, $0xD;
	s1 =	sshrl.u32 s1, $0x2  }
0xc0: {  	s3 =	sand.u32 $0x4000, s31;
	s1 =	sadd.s32 s1, s30  }
0xc1: {  	s0 =	sor.u32 s3, s0;
	s1 =	sshll.u32 s1, $0x11  }
0xc2: {  	s0 =	sor.u32 s1, s0  }
0xc3: {  	s0 =	sadd.s32 $0x8F2B, s0  }
0xc4: {  	[sflag:s0] =	ssyncadd.remote.s32 $0x1  }
0xc5: {  	_ =	sfence.sel $0xFFFF  }
0xc6: {  	[dreg:$0x0] =	wrdreg $0xFFFFFFFF;
	(pc) =	sbr.abs _section_cstart, $3  }
0xc7: {  	[dreg:$0x1] =	wrdreg $0xFFFFFFFF  }
0xc8: {  	_ =	task.clear_ibuf [dreg:s8], $0x2FFFF;
	_ =	strace $0x9FFFFFFF  }
0xc9: {  	(tm) =	ssettm $0x7FFFFFFF  }
tec
execute0_lowered:
.L_overlay_start_1:
0x0: {  	(tag) =	ssettag $0x1  }
0x1: {  	s9 =	rddreg [dreg:$0x0]  }
0x2: {  	s5 =	rddreg [dreg:$0x1]  }
0x3: {  	s7 =	rddreg [dreg:$0x2]  }
0x4: {  	s0 =	rddreg [dreg:$0x3];
	s2 =	simm.s32 $0x0;
	s3 =	srdreg.scid  }
0x5: {  	s1 =	stileid.u32;
	[smem:$0x7FF] =	sst s2  }
0x6: {  	s11 =	sand.u32 $0x1, s3;
	s4 =	sshll.u32 s1, $0x1;
	s3 =	sadd.s32 $0x800, s9  }
0x7: {  	_ =	strace $0x80000047;
	s6 =	sor.u32 s11, s4;
	s4 =	simm.s32 $0x1  }
0x8: {  	[tilespmem:s2], [sflag:$0x1] =	stream.linear.gather [hbm4b:s3+s2], $0x18700, $0x38;
	[tilespmem:$0x18E80] =	vst v63  }
0x9: {  	s10 =	smul.u32 $0x28, s6;
	_ =	swait.ge [sflag:s4], $0x18700  }
0xa: {  	[sflag:s4] =	ssyncset.done $0x0  }
0xb: {  	s6 =	simm.s32 $0x18700;
	s5 =	sadd.s32 s5, s10;
	[sflag:s4] =	ssyncadd.s32 $0xFFFE7900  }
0xc: {  	[tilespmem:s6], [sflag:$0x1] =	stream.linear.gather [hbm4b:s5+s2], $0x140, $0x38;
	[tilespmem:$0x18E80] =	vst v63  }
0xd: {  	_ =	swait.ge [sflag:s4], $0x140  }
0xe: {  	[sflag:s4] =	ssyncset.done $0x0  }
0xf: {  	s8 =	simm.s32 $0x18880;
	s7 =	sadd.s32 s7, s10;
	[sflag:s4] =	ssyncadd.s32 $0xFFFFFEC0  }
0x10: {  	[tilespmem:s8], [sflag:$0x1] =	stream.linear.gather [hbm4b:s7+s2], $0x140, $0x38;
	[tilespmem:$0x18E80] =	vst v63  }
0x11: {  	_ =	swait.ge [sflag:s4], $0x140  }
0x12: {  	[sflag:s4] =	ssyncset.done $0x0  }
0x13: {  	[sflag:s4] =	ssyncadd.s32 $0xFFFFFEC0  }
0x14: {  	v0 =	vld [tilespmem:$0x18700];
	_ =	sdelay $0x6  }
0x15: {  	v1 =	vld [tilespmem:$0x18710]  }
0x16: {  	v0 =	vld.idx.msk [tilespmem:v0+s2+$0x0], $0xffff  }
0x17: {  	v2 =	vld [tilespmem:$0x18880];
	_ =	sdelay $0x3  }
0x18: {  	v3 =	vshrl.u32 v0, $0x4;
	v4 =	vand.u32 $0xF, v0  }
0x19: {  	v0 =	vimm.s32 $0x0;
	vm0 =	veq.s32 v3, v2;
	[tilespmem:$0x18D00] =	vst v4  }
0x1a: {  	[tilespmem:$0x18B80] =	vst v3;
	v2 =	vsel vm0, $0x1, v0  }
0x1b: {  	v3 =	vld [tilespmem:$0x18890];
	[tilespmem:$0x18A00] =	vst v2  }
0x1c: {  	v1 =	vld.idx.msk [tilespmem:v1+s2+$0x0], $0xffff  }
0x1d: {  	v2 =	vld [tilespmem:$0x18720];
	_ =	sdelay $0x3  }
0x1e: {  	v46 =	vshrl.u32 v1, $0x4;
	v1 =	vand.u32 $0xF, v1  }
0x1f: {  	vm9 =	veq.s32 v46, v3;
	[tilespmem:$0x18D10] =	vst v1  }
0x20: {  	[tilespmem:$0x18B90] =	vst v46;
	v1 =	vsel vm9, $0x1, v0  }
0x21: {  	v3 =	vld [tilespmem:$0x188A0];
	[tilespmem:$0x18A10] =	vst v1  }
0x22: {  	v1 =	vld.idx.msk [tilespmem:v2+s2+$0x0], $0xffff  }
0x23: {  	v2 =	vld [tilespmem:$0x18730];
	_ =	sdelay $0x3  }
0x24: {  	v47 =	vshrl.u32 v1, $0x4;
	v1 =	vand.u32 $0xF, v1  }
0x25: {  	vm10 =	veq.s32 v47, v3;
	[tilespmem:$0x18D20] =	vst v1  }
0x26: {  	[tilespmem:$0x18BA0] =	vst v47;
	v1 =	vsel vm10, $0x1, v0  }
0x27: {  	v3 =	vld [tilespmem:$0x188B0];
	[tilespmem:$0x18A20] =	vst v1  }
0x28: {  	v1 =	vld.idx.msk [tilespmem:v2+s2+$0x0], $0xffff  }
0x29: {  	v2 =	vld [tilespmem:$0x18740];
	_ =	sdelay $0x3  }
0x2a: {  	v48 =	vshrl.u32 v1, $0x4;
	v1 =	vand.u32 $0xF, v1  }
0x2b: {  	vm11 =	veq.s32 v48, v3;
	[tilespmem:$0x18D30] =	vst v1  }
0x2c: {  	[tilespmem:$0x18BB0] =	vst v48;
	v1 =	vsel vm11, $0x1, v0  }
0x2d: {  	v3 =	vld [tilespmem:$0x188C0];
	[tilespmem:$0x18A30] =	vst v1  }
0x2e: {  	v1 =	vld.idx.msk [tilespmem:v2+s2+$0x0], $0xffff  }
0x2f: {  	v2 =	vld [tilespmem:$0x18750];
	_ =	sdelay $0x3  }
0x30: {  	v49 =	vshrl.u32 v1, $0x4;
	v1 =	vand.u32 $0xF, v1  }
0x31: {  	vm12 =	veq.s32 v49, v3;
	[tilespmem:$0x18D40] =	vst v1  }
0x32: {  	[tilespmem:$0x18BC0] =	vst v49;
	v1 =	vsel vm12, $0x1, v0  }
0x33: {  	v3 =	vld [tilespmem:$0x188D0];
	[tilespmem:$0x18A40] =	vst v1  }
0x34: {  	v1 =	vld.idx.msk [tilespmem:v2+s2+$0x0], $0xffff  }
0x35: {  	v2 =	vld [tilespmem:$0x18760];
	_ =	sdelay $0x3  }
0x36: {  	v50 =	vshrl.u32 v1, $0x4;
	v1 =	vand.u32 $0xF, v1  }
0x37: {  	vm13 =	veq.s32 v50, v3;
	[tilespmem:$0x18D50] =	vst v1  }
0x38: {  	[tilespmem:$0x18BD0] =	vst v50;
	v1 =	vsel vm13, $0x1, v0  }
0x39: {  	v3 =	vld [tilespmem:$0x188E0];
	[tilespmem:$0x18A50] =	vst v1  }
0x3a: {  	v1 =	vld.idx.msk [tilespmem:v2+s2+$0x0], $0xffff  }
0x3b: {  	v2 =	vld [tilespmem:$0x18770];
	_ =	sdelay $0x3  }
0x3c: {  	v51 =	vshrl.u32 v1, $0x4;
	v1 =	vand.u32 $0xF, v1  }
0x3d: {  	vm14 =	veq.s32 v51, v3;
	[tilespmem:$0x18D60] =	vst v1  }
0x3e: {  	[tilespmem:$0x18BE0] =	vst v51;
	v1 =	vsel vm14, $0x1, v0  }
0x3f: {  	v3 =	vld [tilespmem:$0x188F0];
	[tilespmem:$0x18A60] =	vst v1  }
0x40: {  	v1 =	vld.idx.msk [tilespmem:v2+s2+$0x0], $0xffff  }
0x41: {  	v2 =	vld [tilespmem:$0x18780];
	_ =	sdelay $0x3  }
0x42: {  	v52 =	vshrl.u32 v1, $0x4;
	v1 =	vand.u32 $0xF, v1  }
0x43: {  	vm15 =	veq.s32 v52, v3;
	[tilespmem:$0x18D70] =	vst v1  }
0x44: {  	[tilespmem:$0x18BF0] =	vst v52;
	v1 =	vsel vm15, $0x1, v0  }
0x45: {  	v3 =	vld [tilespmem:$0x18900];
	[tilespmem:$0x18A70] =	vst v1  }
0x46: {  	v1 =	vld.idx.msk [tilespmem:v2+s2+$0x0], $0xffff  }
0x47: {  	v2 =	vld [tilespmem:$0x18790];
	_ =	sdelay $0x3  }
0x48: {  	v53 =	vshrl.u32 v1, $0x4  }
0x49: {  	v1 =	vand.u32 $0xF, v1;
	vm4 =	veq.s32 v53, v3;
	[tilespmem:$0x18C00] =	vst v53  }
0x4a: {  	[tilespmem:$0x18D80] =	vst v1;
	v3 =	vsel vm4, $0x1, v0  }
0x4b: {  	[tilespmem:$0x18A80] =	vst v3;
	v3 =	vld [tilespmem:$0x18910]  }
0x4c: {  	v1 =	vld.idx.msk [tilespmem:v2+s2+$0x0], $0xffff  }
0x4d: {  	v2 =	vld [tilespmem:$0x187A0];
	_ =	sdelay $0x3  }
0x4e: {  	v54 =	vshrl.u32 v1, $0x4  }
0x4f: {  	v1 =	vand.u32 $0xF, v1;
	vm5 =	veq.s32 v54, v3;
	[tilespmem:$0x18C10] =	vst v54  }
0x50: {  	[tilespmem:$0x18D90] =	vst v1;
	v3 =	vsel vm5, $0x1, v0  }
0x51: {  	[tilespmem:$0x18A90] =	vst v3;
	v3 =	vld [tilespmem:$0x18920]  }
0x52: {  	v1 =	vld.idx.msk [tilespmem:v2+s2+$0x0], $0xffff  }
0x53: {  	v2 =	vld [tilespmem:$0x187B0];
	_ =	sdelay $0x3  }
0x54: {  	v55 =	vshrl.u32 v1, $0x4  }
0x55: {  	v1 =	vand.u32 $0xF, v1;
	vm6 =	veq.s32 v55, v3;
	[tilespmem:$0x18C20] =	vst v55  }
0x56: {  	[tilespmem:$0x18DA0] =	vst v1;
	v3 =	vsel vm6, $0x1, v0  }
0x57: {  	[tilespmem:$0x18AA0] =	vst v3;
	v3 =	vld [tilespmem:$0x18930]  }
0x58: {  	v1 =	vld.idx.msk [tilespmem:v2+s2+$0x0], $0xffff  }
0x59: {  	v2 =	vld [tilespmem:$0x187C0];
	_ =	sdelay $0x3  }
0x5a: {  	v56 =	vshrl.u32 v1, $0x4  }
0x5b: {  	v1 =	vand.u32 $0xF, v1;
	vm7 =	veq.s32 v56, v3;
	[tilespmem:$0x18C30] =	vst v56  }
0x5c: {  	[tilespmem:$0x18DB0] =	vst v1;
	v3 =	vsel vm7, $0x1, v0  }
0x5d: {  	[tilespmem:$0x18AB0] =	vst v3;
	v3 =	vld [tilespmem:$0x18940]  }
0x5e: {  	v1 =	vld.idx.msk [tilespmem:v2+s2+$0x0], $0xffff  }
0x5f: {  	v2 =	vld [tilespmem:$0x187D0];
	_ =	sdelay $0x3  }
0x60: {  	v57 =	vshrl.u32 v1, $0x4  }
0x61: {  	v1 =	vand.u32 $0xF, v1;
	vm8 =	veq.s32 v57, v3;
	[tilespmem:$0x18C40] =	vst v57  }
0x62: {  	[tilespmem:$0x18DC0] =	vst v1;
	v3 =	vsel vm8, $0x1, v0  }
0x63: {  	[tilespmem:$0x18AC0] =	vst v3;
	v3 =	vld [tilespmem:$0x18950]  }
0x64: {  	v1 =	vld.idx.msk [tilespmem:v2+s2+$0x0], $0xffff  }
0x65: {  	v2 =	vld [tilespmem:$0x187E0];
	_ =	sdelay $0x3  }
0x66: {  	v58 =	vshrl.u32 v1, $0x4  }
0x67: {  	v1 =	vand.u32 $0xF, v1;
	vm9 =	veq.s32 v58, v3;
	[tilespmem:$0x18C50] =	vst v58  }
0x68: {  	[tilespmem:$0x18DD0] =	vst v1;
	v3 =	vsel vm9, $0x1, v0  }
0x69: {  	[tilespmem:$0x18AD0] =	vst v3;
	v3 =	vld [tilespmem:$0x18960]  }
0x6a: {  	v1 =	vld.idx.msk [tilespmem:v2+s2+$0x0], $0xffff  }
0x6b: {  	v2 =	vld [tilespmem:$0x187F0];
	_ =	sdelay $0x3  }
0x6c: {  	v59 =	vshrl.u32 v1, $0x4  }
0x6d: {  	v1 =	vand.u32 $0xF, v1;
	vm10 =	veq.s32 v59, v3;
	[tilespmem:$0x18C60] =	vst v59  }
0x6e: {  	[tilespmem:$0x18DE0] =	vst v1;
	v3 =	vsel vm10, $0x1, v0  }
0x6f: {  	[tilespmem:$0x18AE0] =	vst v3;
	v3 =	vld [tilespmem:$0x18970]  }
0x70: {  	v1 =	vld.idx.msk [tilespmem:v2+s2+$0x0], $0xffff  }
0x71: {  	v2 =	vld [tilespmem:$0x18800];
	_ =	sdelay $0x3  }
0x72: {  	v60 =	vshrl.u32 v1, $0x4  }
0x73: {  	v1 =	vand.u32 $0xF, v1;
	vm11 =	veq.s32 v60, v3;
	[tilespmem:$0x18C70] =	vst v60  }
0x74: {  	[tilespmem:$0x18DF0] =	vst v1;
	v3 =	vsel vm11, $0x1, v0  }
0x75: {  	[tilespmem:$0x18AF0] =	vst v3;
	v3 =	vld [tilespmem:$0x18980]  }
0x76: {  	v1 =	vld.idx.msk [tilespmem:v2+s2+$0x0], $0xffff  }
0x77: {  	v2 =	vld [tilespmem:$0x18810];
	_ =	sdelay $0x3  }
0x78: {  	v61 =	vshrl.u32 v1, $0x4  }
0x79: {  	v1 =	vand.u32 $0xF, v1;
	vm12 =	veq.s32 v61, v3;
	[tilespmem:$0x18C80] =	vst v61  }
0x7a: {  	[tilespmem:$0x18E00] =	vst v1;
	v3 =	vsel vm12, $0x1, v0  }
0x7b: {  	[tilespmem:$0x18B00] =	vst v3;
	v3 =	vld [tilespmem:$0x18990]  }
0x7c: {  	v1 =	vld.idx.msk [tilespmem:v2+s2+$0x0], $0xffff  }
0x7d: {  	v2 =	vld [tilespmem:$0x18820];
	_ =	sdelay $0x3  }
0x7e: {  	v62 =	vshrl.u32 v1, $0x4  }
0x7f: {  	v1 =	vand.u32 $0xF, v1;
	vm13 =	veq.s32 v62, v3;
	[tilespmem:$0x18C90] =	vst v62  }
0x80: {  	[tilespmem:$0x18E10] =	vst v1;
	v3 =	vsel vm13, $0x1, v0  }
0x81: {  	[tilespmem:$0x18B10] =	vst v3;
	v3 =	vld [tilespmem:$0x189A0]  }
0x82: {  	v1 =	vld.idx.msk [tilespmem:v2+s2+$0x0], $0xffff  }
0x83: {  	v2 =	vld [tilespmem:$0x18830];
	_ =	sdelay $0x3  }
0x84: {  	v63 =	vshrl.u32 v1, $0x4  }
0x85: {  	v1 =	vand.u32 $0xF, v1;
	vm14 =	veq.s32 v63, v3;
	[tilespmem:$0x18CA0] =	vst v63  }
0x86: {  	[tilespmem:$0x18E20] =	vst v1;
	v3 =	vsel vm14, $0x1, v0  }
0x87: {  	[tilespmem:$0x18B20] =	vst v3  }
0x88: {  	v1 =	vld.idx.msk [tilespmem:v2+s2+$0x0], $0xffff  }
0x89: {  	v2 =	vld [tilespmem:$0x189B0];
	_ =	sdelay $0x3  }
0x8a: {  	v3 =	vshrl.u32 v1, $0x4  }
0x8b: {  	v1 =	vand.u32 $0xF, v1;
	vm15 =	veq.s32 v3, v2;
	[tilespmem:$0x18CB0] =	vst v3  }
0x8c: {  	s13 =	sadd.s32 s10, s9;
	[tilespmem:$0x18E30] =	vst v1;
	v2 =	vsel vm15, $0x1, v0  }
0x8d: {  	s14 =	ssub.s32 $0x2, s11;
	s10 =	simm.s32 $0x18A00;
	s9 =	sadd.s32 $0x4600, s13;
	[tilespmem:$0x18B30] =	vst v2  }
0x8e: {  	[hbm4b:s9+s2] =	stream.linear.scatter [tilespmem:s10], [sflag:$0x1], $0x140, $0x38;
	[tilespmem:$0x18E80] =	vst v63  }
0x8f: {  	s15 =	sshrl.u32 s14, $0x1;
	_ =	swait.ge [sflag:s4], $0x140  }
0x90: {  	s12 =	simm.s32 $0x18B80;
	s14 =	ssub.s32 s14, s15;
	[sflag:s4] =	ssyncset.done $0x0  }
0x91: {  	s15 =	smax.u32 s14, $0x1;
	s11 =	sadd.s32 $0x3A00, s13;
	[sflag:s4] =	ssyncadd.s32 $0xFFFFFEC0  }
0x92: {  	[hbm4b:s11+s2] =	stream.linear.scatter [tilespmem:s12], [sflag:$0x1], $0x140, $0x38;
	[tilespmem:$0x18E80] =	vst v63  }
0x93: {  	p0 =	sne.s32 s15, $0x1;
	_ =	swait.ge [sflag:s4], $0x140  }
.Ltmp0:
0x94: {  	[sflag:s4] =	ssyncset.done $0x0;
	(pc) =	sbr.rel @!p0 .LBB2_2-.Ltmp0, $4  }
0x95: {  	s14 =	simm.s32 $0x18D00;
	s13 =	sadd.s32 $0x4000, s13;
	[sflag:s4] =	ssyncadd.s32 $0xFFFFFEC0  }
0x96: {  	[hbm4b:s13+s2] =	stream.linear.scatter [tilespmem:s14], [sflag:$0x1], $0x140, $0x38;
	[tilespmem:$0x18E80] =	vst v63  }
0x97: {  	_ =	swait.ge [sflag:s4], $0x140  }
0x98: {  	s15 =	sadd.s32 $0xFFFFFFFF, s15;
	[sflag:s4] =	ssyncset.done $0x0  }
.LBB2_1:
0x99: {  	p0 =	sne.s32 s15, $0x1;
	s15 =	sadd.s32 $0xFFFFFFFF, s15;
	[sflag:s4] =	ssyncadd.s32 $0xFFFFFEC0  }
0x9a: {  	[tilespmem:s2], [sflag:$0x1] =	stream.linear.gather [hbm4b:s3+s2], $0x18700, $0x38;
	[tilespmem:$0x18E80] =	vst v63  }
0x9b: {  	_ =	swait.ge [sflag:s4], $0x18700  }
0x9c: {  	[sflag:s4] =	ssyncset.done $0x0  }
0x9d: {  	[sflag:s4] =	ssyncadd.s32 $0xFFFE7900  }
0x9e: {  	[tilespmem:s6], [sflag:$0x1] =	stream.linear.gather [hbm4b:s5+s2], $0x140, $0x38;
	[tilespmem:$0x18E80] =	vst v63  }
0x9f: {  	_ =	swait.ge [sflag:s4], $0x140  }
0xa0: {  	[sflag:s4] =	ssyncset.done $0x0  }
0xa1: {  	[sflag:s4] =	ssyncadd.s32 $0xFFFFFEC0  }
0xa2: {  	[tilespmem:s8], [sflag:$0x1] =	stream.linear.gather [hbm4b:s7+s2], $0x140, $0x38;
	[tilespmem:$0x18E80] =	vst v63  }
0xa3: {  	_ =	swait.ge [sflag:s4], $0x140  }
0xa4: {  	[sflag:s4] =	ssyncset.done $0x0  }
0xa5: {  	[sflag:s4] =	ssyncadd.s32 $0xFFFFFEC0  }
0xa6: {  	v1 =	vld [tilespmem:$0x18700];
	_ =	sdelay $0x7  }
0xa7: {  	v1 =	vld.idx.msk [tilespmem:v1+s2+$0x0], $0xffff  }
0xa8: {  	v2 =	vld [tilespmem:$0x18710]  }
0xa9: {  	v3 =	vld [tilespmem:$0x18880];
	_ =	sdelay $0x3  }
0xaa: {  	v4 =	vshrl.u32 v1, $0x4;
	v1 =	vand.u32 $0xF, v1  }
0xab: {  	vm0 =	veq.s32 v4, v3;
	[tilespmem:$0x18D00] =	vst v1  }
0xac: {  	v1 =	vsel vm0, $0x1, v0;
	[tilespmem:$0x18B80] =	vst v4  }
0xad: {  	[tilespmem:$0x18A00] =	vst v1  }
0xae: {  	v1 =	vld.idx.msk [tilespmem:v2+s2+$0x0], $0xffff  }
0xaf: {  	v2 =	vld [tilespmem:$0x18720]  }
0xb0: {  	v3 =	vld [tilespmem:$0x18890];
	_ =	sdelay $0x3  }
0xb1: {  	v4 =	vshrl.u32 v1, $0x4;
	v1 =	vand.u32 $0xF, v1  }
0xb2: {  	vm0 =	veq.s32 v4, v3;
	[tilespmem:$0x18D10] =	vst v1  }
0xb3: {  	v1 =	vsel vm0, $0x1, v0;
	[tilespmem:$0x18B90] =	vst v4  }
0xb4: {  	[tilespmem:$0x18A10] =	vst v1  }
0xb5: {  	v1 =	vld.idx.msk [tilespmem:v2+s2+$0x0], $0xffff  }
0xb6: {  	v2 =	vld [tilespmem:$0x18730]  }
0xb7: {  	v3 =	vld [tilespmem:$0x188A0];
	_ =	sdelay $0x3  }
0xb8: {  	v4 =	vshrl.u32 v1, $0x4;
	v1 =	vand.u32 $0xF, v1  }
0xb9: {  	vm0 =	veq.s32 v4, v3;
	[tilespmem:$0x18D20] =	vst v1  }
0xba: {  	v1 =	vsel vm0, $0x1, v0;
	[tilespmem:$0x18BA0] =	vst v4  }
0xbb: {  	[tilespmem:$0x18A20] =	vst v1  }
0xbc: {  	v1 =	vld.idx.msk [tilespmem:v2+s2+$0x0], $0xffff  }
0xbd: {  	v2 =	vld [tilespmem:$0x18740]  }
0xbe: {  	v3 =	vld [tilespmem:$0x188B0];
	_ =	sdelay $0x3  }
0xbf: {  	v4 =	vshrl.u32 v1, $0x4;
	v1 =	vand.u32 $0xF, v1  }
0xc0: {  	vm0 =	veq.s32 v4, v3;
	[tilespmem:$0x18D30] =	vst v1  }
0xc1: {  	v1 =	vsel vm0, $0x1, v0;
	[tilespmem:$0x18BB0] =	vst v4  }
0xc2: {  	[tilespmem:$0x18A30] =	vst v1  }
0xc3: {  	v1 =	vld.idx.msk [tilespmem:v2+s2+$0x0], $0xffff  }
0xc4: {  	v2 =	vld [tilespmem:$0x18750]  }
0xc5: {  	v3 =	vld [tilespmem:$0x188C0];
	_ =	sdelay $0x3  }
0xc6: {  	v4 =	vshrl.u32 v1, $0x4;
	v1 =	vand.u32 $0xF, v1  }
0xc7: {  	vm0 =	veq.s32 v4, v3;
	[tilespmem:$0x18D40] =	vst v1  }
0xc8: {  	v1 =	vsel vm0, $0x1, v0;
	[tilespmem:$0x18BC0] =	vst v4  }
0xc9: {  	[tilespmem:$0x18A40] =	vst v1  }
0xca: {  	v1 =	vld.idx.msk [tilespmem:v2+s2+$0x0], $0xffff  }
0xcb: {  	v2 =	vld [tilespmem:$0x18760]  }
0xcc: {  	v3 =	vld [tilespmem:$0x188D0];
	_ =	sdelay $0x3  }
0xcd: {  	v4 =	vshrl.u32 v1, $0x4;
	v1 =	vand.u32 $0xF, v1  }
0xce: {  	vm0 =	veq.s32 v4, v3;
	[tilespmem:$0x18D50] =	vst v1  }
0xcf: {  	v1 =	vsel vm0, $0x1, v0;
	[tilespmem:$0x18BD0] =	vst v4  }
0xd0: {  	[tilespmem:$0x18A50] =	vst v1  }
0xd1: {  	v1 =	vld.idx.msk [tilespmem:v2+s2+$0x0], $0xffff  }
0xd2: {  	v2 =	vld [tilespmem:$0x18770]  }
0xd3: {  	v3 =	vld [tilespmem:$0x188E0];
	_ =	sdelay $0x3  }
0xd4: {  	v4 =	vshrl.u32 v1, $0x4;
	v1 =	vand.u32 $0xF, v1  }
0xd5: {  	vm0 =	veq.s32 v4, v3;
	[tilespmem:$0x18D60] =	vst v1  }
0xd6: {  	v1 =	vsel vm0, $0x1, v0;
	[tilespmem:$0x18BE0] =	vst v4  }
0xd7: {  	[tilespmem:$0x18A60] =	vst v1  }
0xd8: {  	v1 =	vld.idx.msk [tilespmem:v2+s2+$0x0], $0xffff  }
0xd9: {  	v2 =	vld [tilespmem:$0x18780]  }
0xda: {  	v3 =	vld [tilespmem:$0x188F0];
	_ =	sdelay $0x3  }
0xdb: {  	v4 =	vshrl.u32 v1, $0x4;
	v1 =	vand.u32 $0xF, v1  }
0xdc: {  	vm0 =	veq.s32 v4, v3;
	[tilespmem:$0x18D70] =	vst v1  }
0xdd: {  	v1 =	vsel vm0, $0x1, v0;
	[tilespmem:$0x18BF0] =	vst v4  }
0xde: {  	[tilespmem:$0x18A70] =	vst v1  }
0xdf: {  	v1 =	vld.idx.msk [tilespmem:v2+s2+$0x0], $0xffff  }
0xe0: {  	v2 =	vld [tilespmem:$0x18790]  }
0xe1: {  	v3 =	vld [tilespmem:$0x18900];
	_ =	sdelay $0x3  }
0xe2: {  	v4 =	vshrl.u32 v1, $0x4;
	v1 =	vand.u32 $0xF, v1  }
0xe3: {  	vm0 =	veq.s32 v4, v3;
	[tilespmem:$0x18C00] =	vst v4  }
0xe4: {  	v3 =	vsel vm0, $0x1, v0;
	[tilespmem:$0x18D80] =	vst v1  }
0xe5: {  	[tilespmem:$0x18A80] =	vst v3  }
0xe6: {  	v1 =	vld.idx.msk [tilespmem:v2+s2+$0x0], $0xffff  }
0xe7: {  	v2 =	vld [tilespmem:$0x187A0]  }
0xe8: {  	v3 =	vld [tilespmem:$0x18910];
	_ =	sdelay $0x3  }
0xe9: {  	v4 =	vshrl.u32 v1, $0x4;
	v1 =	vand.u32 $0xF, v1  }
0xea: {  	vm0 =	veq.s32 v4, v3;
	[tilespmem:$0x18C10] =	vst v4  }
0xeb: {  	v3 =	vsel vm0, $0x1, v0;
	[tilespmem:$0x18D90] =	vst v1  }
0xec: {  	[tilespmem:$0x18A90] =	vst v3  }
0xed: {  	v1 =	vld.idx.msk [tilespmem:v2+s2+$0x0], $0xffff  }
0xee: {  	v2 =	vld [tilespmem:$0x187B0]  }
0xef: {  	v3 =	vld [tilespmem:$0x18920];
	_ =	sdelay $0x3  }
0xf0: {  	v4 =	vshrl.u32 v1, $0x4;
	v1 =	vand.u32 $0xF, v1  }
0xf1: {  	vm0 =	veq.s32 v4, v3;
	[tilespmem:$0x18C20] =	vst v4  }
0xf2: {  	v3 =	vsel vm0, $0x1, v0;
	[tilespmem:$0x18DA0] =	vst v1  }
0xf3: {  	[tilespmem:$0x18AA0] =	vst v3  }
0xf4: {  	v1 =	vld.idx.msk [tilespmem:v2+s2+$0x0], $0xffff  }
0xf5: {  	v2 =	vld [tilespmem:$0x187C0]  }
0xf6: {  	v3 =	vld [tilespmem:$0x18930];
	_ =	sdelay $0x3  }
0xf7: {  	v4 =	vshrl.u32 v1, $0x4;
	v1 =	vand.u32 $0xF, v1  }
0xf8: {  	vm0 =	veq.s32 v4, v3;
	[tilespmem:$0x18C30] =	vst v4  }
0xf9: {  	v3 =	vsel vm0, $0x1, v0;
	[tilespmem:$0x18DB0] =	vst v1  }
0xfa: {  	[tilespmem:$0x18AB0] =	vst v3  }
0xfb: {  	v1 =	vld.idx.msk [tilespmem:v2+s2+$0x0], $0xffff  }
0xfc: {  	v2 =	vld [tilespmem:$0x187D0]  }
0xfd: {  	v3 =	vld [tilespmem:$0x18940];
	_ =	sdelay $0x3  }
0xfe: {  	v4 =	vshrl.u32 v1, $0x4;
	v1 =	vand.u32 $0xF, v1  }
0xff: {  	vm0 =	veq.s32 v4, v3;
	[tilespmem:$0x18C40] =	vst v4  }
0x100: {  	v3 =	vsel vm0, $0x1, v0;
	[tilespmem:$0x18DC0] =	vst v1  }
0x101: {  	[tilespmem:$0x18AC0] =	vst v3  }
0x102: {  	v1 =	vld.idx.msk [tilespmem:v2+s2+$0x0], $0xffff  }
0x103: {  	v2 =	vld [tilespmem:$0x187E0]  }
0x104: {  	v3 =	vld [tilespmem:$0x18950];
	_ =	sdelay $0x3  }
0x105: {  	v4 =	vshrl.u32 v1, $0x4;
	v1 =	vand.u32 $0xF, v1  }
0x106: {  	vm0 =	veq.s32 v4, v3;
	[tilespmem:$0x18C50] =	vst v4  }
0x107: {  	v3 =	vsel vm0, $0x1, v0;
	[tilespmem:$0x18DD0] =	vst v1  }
0x108: {  	[tilespmem:$0x18AD0] =	vst v3  }
0x109: {  	v1 =	vld.idx.msk [tilespmem:v2+s2+$0x0], $0xffff  }
0x10a: {  	v2 =	vld [tilespmem:$0x187F0]  }
0x10b: {  	v3 =	vld [tilespmem:$0x18960];
	_ =	sdelay $0x3  }
0x10c: {  	v4 =	vshrl.u32 v1, $0x4;
	v1 =	vand.u32 $0xF, v1  }
0x10d: {  	vm0 =	veq.s32 v4, v3;
	[tilespmem:$0x18C60] =	vst v4  }
0x10e: {  	v3 =	vsel vm0, $0x1, v0;
	[tilespmem:$0x18DE0] =	vst v1  }
0x10f: {  	[tilespmem:$0x18AE0] =	vst v3  }
0x110: {  	v1 =	vld.idx.msk [tilespmem:v2+s2+$0x0], $0xffff  }
0x111: {  	v2 =	vld [tilespmem:$0x18800]  }
0x112: {  	v3 =	vld [tilespmem:$0x18970];
	_ =	sdelay $0x3  }
0x113: {  	v4 =	vshrl.u32 v1, $0x4;
	v1 =	vand.u32 $0xF, v1  }
0x114: {  	vm0 =	veq.s32 v4, v3;
	[tilespmem:$0x18C70] =	vst v4  }
0x115: {  	v3 =	vsel vm0, $0x1, v0;
	[tilespmem:$0x18DF0] =	vst v1  }
0x116: {  	[tilespmem:$0x18AF0] =	vst v3  }
0x117: {  	v1 =	vld.idx.msk [tilespmem:v2+s2+$0x0], $0xffff  }
0x118: {  	v2 =	vld [tilespmem:$0x18810]  }
0x119: {  	v3 =	vld [tilespmem:$0x18980];
	_ =	sdelay $0x3  }
0x11a: {  	v4 =	vshrl.u32 v1, $0x4;
	v1 =	vand.u32 $0xF, v1  }
0x11b: {  	vm0 =	veq.s32 v4, v3;
	[tilespmem:$0x18C80] =	vst v4  }
0x11c: {  	v3 =	vsel vm0, $0x1, v0;
	[tilespmem:$0x18E00] =	vst v1  }
0x11d: {  	[tilespmem:$0x18B00] =	vst v3  }
0x11e: {  	v1 =	vld.idx.msk [tilespmem:v2+s2+$0x0], $0xffff  }
0x11f: {  	v2 =	vld [tilespmem:$0x18820]  }
0x120: {  	v3 =	vld [tilespmem:$0x18990];
	_ =	sdelay $0x3  }
0x121: {  	v4 =	vshrl.u32 v1, $0x4;
	v1 =	vand.u32 $0xF, v1  }
0x122: {  	vm0 =	veq.s32 v4, v3;
	[tilespmem:$0x18C90] =	vst v4  }
0x123: {  	v3 =	vsel vm0, $0x1, v0;
	[tilespmem:$0x18E10] =	vst v1  }
0x124: {  	[tilespmem:$0x18B10] =	vst v3  }
0x125: {  	v1 =	vld.idx.msk [tilespmem:v2+s2+$0x0], $0xffff  }
0x126: {  	v2 =	vld [tilespmem:$0x18830]  }
0x127: {  	v3 =	vld [tilespmem:$0x189A0];
	_ =	sdelay $0x3  }
0x128: {  	v4 =	vshrl.u32 v1, $0x4;
	v1 =	vand.u32 $0xF, v1  }
0x129: {  	vm0 =	veq.s32 v4, v3;
	[tilespmem:$0x18CA0] =	vst v4  }
0x12a: {  	v3 =	vsel vm0, $0x1, v0;
	[tilespmem:$0x18E20] =	vst v1  }
0x12b: {  	[tilespmem:$0x18B20] =	vst v3  }
0x12c: {  	v1 =	vld.idx.msk [tilespmem:v2+s2+$0x0], $0xffff;
	_ =	sdelay $0x1  }
0x12d: {  	v2 =	vld [tilespmem:$0x189B0];
	_ =	sdelay $0x3  }
0x12e: {  	v3 =	vshrl.u32 v1, $0x4;
	v1 =	vand.u32 $0xF, v1  }
0x12f: {  	vm0 =	veq.s32 v3, v2;
	[tilespmem:$0x18CB0] =	vst v3  }
0x130: {  	v2 =	vsel vm0, $0x1, v0;
	[tilespmem:$0x18E30] =	vst v1  }
0x131: {  	[tilespmem:$0x18B30] =	vst v2  }
0x132: {  	[hbm4b:s9+s2] =	stream.linear.scatter [tilespmem:s10], [sflag:$0x1], $0x140, $0x38;
	[tilespmem:$0x18E80] =	vst v63  }
0x133: {  	_ =	swait.ge [sflag:s4], $0x140  }
0x134: {  	[sflag:s4] =	ssyncset.done $0x0  }
0x135: {  	[sflag:s4] =	ssyncadd.s32 $0xFFFFFEC0  }
0x136: {  	[hbm4b:s11+s2] =	stream.linear.scatter [tilespmem:s12], [sflag:$0x1], $0x140, $0x38;
	[tilespmem:$0x18E80] =	vst v63  }
0x137: {  	_ =	swait.ge [sflag:s4], $0x140  }
.Ltmp1:
0x138: {  	[sflag:s4] =	ssyncset.done $0x0;
	(pc) =	sbr.rel @p0 .LBB2_1-.Ltmp1, $4  }
0x139: {  	[sflag:s4] =	ssyncadd.s32 $0xFFFFFEC0  }
0x13a: {  	[hbm4b:s13+s2] =	stream.linear.scatter [tilespmem:s14], [sflag:$0x1], $0x140, $0x38;
	[tilespmem:$0x18E80] =	vst v63  }
0x13b: {  	_ =	swait.ge [sflag:s4], $0x140  }
0x13c: {  	[sflag:s4] =	ssyncset.done $0x0  }
.LBB2_2:
0x13d: {  	[sflag:s4] =	ssyncadd.s32 $0xFFFFFEC0  }
0x13e: {  	_ =	sfence.sel $0x180000  }
0x13f: {  	[bflag:$0x0] =	sbarrier.arrive $0xFFFF  }
0x140: {  	p0 =	sne.s32 s1, $0x0;
	_ =	strace $0x90000047  }
0x141: {  	s0 =	sadd.s32 @!p0 $0x100000, s0;
	[bflag:$0x2] =	sbarrier.arrive $0xFFFF  }
0x142: {  	[sflag:s0] =	ssyncadd.tile.s32 @!p0 $0x1;
	_ =	shalt  }
.Lfunc_end2:
_tile_overlayer_lowered:
.L_overlay_start_2:
0x143: {  	(tag) =	ssettag $0x2  }
0x144: {  	s0 =	rddreg [dreg:$0x0];
	s2 =	stileid.u32  }
0x145: {  	s1 =	rddreg [dreg:$0x1];
	p0 =	sne.s32 s2, $0x0  }
0x146: {  	s3 =	rddreg [dreg:$0x2];
	[bflag:$0x3] =	sbarrier.arrive $0xFFFF;
	s2 =	simm.s32 @!p0 $0x1C01  }
0x147: {  	[timem:s3], [sflag:s2] =	dma.local @!p0 [hbm:s0], s1  }
0x148: {  	s0 =	simm.s32 @!p0 $0x1  }
0x149: {  	_ =	swait.ge @!p0 [sflag:s0], s1  }
0x14a: {  	s1 =	ssub.s32 @!p0 $0x0, s1;
	[sflag:s0] =	ssyncset.done @!p0 $0x0  }
0x14b: {  	[sflag:s0] =	ssyncadd.s32 @!p0 s1  }
0x14c: {  	[bflag:$0x3] =	sbarrier.arrive $0xFFFF  }
0x14d: {  	_ =	shalt  }

</sc_bundles>
